<compile_context>
chip_gen: v7x
topology: tpu7x:2x2x1
jax: 0.10.2.dev20260603
libtpu: 0.0.44.dev20260713+nightly
codegen_flags: <defaults>
</compile_context>

<pallas_src>
import functools

import jax
import jax.numpy as jnp
from jax import lax
from jax.experimental import pallas as pl
from jax.experimental.pallas import tpu as pltpu
from jax.experimental.pallas import tpu_sc as plsc

V = 100000
D = 128
B = 4096
L = 200

NC = 2
NS = 16
NW = NC * NS
ROWS_PER_W = B // NW
GROUPS = ROWS_PER_W // 16


_NSTREAM = 1
_VSUB = 12800
_VSTEP = _NSTREAM * _VSUB
_VGRID = -(-V // _VSTEP)
_VPAD = _VGRID * _VSTEP


def _project_body(*refs):
    tab_refs = refs[:_NSTREAM]
    w_ref, b_ref, o_ref, b16_ref = refs[_NSTREAM:]
    i = pl.program_id(0)
    w = w_ref[...]
    for k in range(_NSTREAM):
        s = jnp.sum(tab_refs[k][...] * w, axis=1)
        o_ref[pl.ds(i * _VSTEP + k * _VSUB, _VSUB)] = s
    b16_ref[...] = jnp.broadcast_to(b_ref[...], (16,))


def _project_table(table, W, b):
    def _tab_spec(k):
        return pl.BlockSpec((_VSUB, D), lambda i, k=k: (_NSTREAM * i + k, 0))

    return pl.pallas_call(
        _project_body,
        grid=(_VGRID,),
        in_specs=[_tab_spec(k) for k in range(_NSTREAM)] + [
            pl.BlockSpec((1, D), lambda i: (0, 0)),
            pl.BlockSpec((1,), lambda i: (0,)),
        ],
        out_specs=[
            pl.BlockSpec((_VPAD,), lambda i: (0,)),
            pl.BlockSpec((16,), lambda i: (0,)),
        ],
        out_shape=[
            jax.ShapeDtypeStruct((_VPAD,), jnp.float32),
            jax.ShapeDtypeStruct((16,), jnp.float32),
        ],
    )(*([table] * _NSTREAM), W, b)


def _pool_body(t_hbm, x_hbm, b_hbm, out_hbm, t_v, x_v, b_v, out_v,
               sem_t, sem_x):
    wid = lax.axis_index("s") * NC + lax.axis_index("c")
    base = wid * ROWS_PER_W

    cp_t = pltpu.make_async_copy(t_hbm, t_v, sem_t)
    cp_t.start()
    cp_x = pltpu.make_async_copy(
        x_hbm.at[pl.ds(base * L, ROWS_PER_W * L)], x_v, sem_x)
    cp_x.start()
    pltpu.sync_copy(b_hbm, b_v)
    cp_x.wait()
    cp_t.wait()

    lane = lax.broadcasted_iota(jnp.int32, (16,), 0)
    zero = jnp.zeros((16,), jnp.float32)
    izero = jnp.zeros((16,), jnp.int32)
    one = jnp.ones((16,), jnp.int32)
    b_vec = b_v[...]

    def group_body(g, _):
        flat0 = (g * 16 + lane) * L

        def body(j, carry):
            acc, cnt = carry
            xi = plsc.load_gather(x_v, [flat0 + j])
            tv = plsc.load_gather(t_v, [xi])
            acc = acc + tv
            cnt = cnt + jnp.minimum(xi, one)
            return acc, cnt

        acc, cnt = lax.fori_loop(0, L, body, (zero, izero), unroll=25)
        cntf = jnp.maximum(cnt.astype(jnp.float32), 1.0)
        out_v[pl.ds(pl.multiple_of(g * 16, 16), 16)] = acc / cntf + b_vec
        return 0

    lax.fori_loop(0, GROUPS, group_body, 0)

    pltpu.sync_copy(out_v, out_hbm.at[pl.ds(base, ROWS_PER_W)])


@functools.cache
def _make_pool_kernel():
    mesh = plsc.VectorSubcoreMesh(core_axis_name="c", subcore_axis_name="s")
    return pl.kernel(
        _pool_body,
        out_type=jax.ShapeDtypeStruct((B,), jnp.float32),
        mesh=mesh,
        scratch_types=[
            pltpu.VMEM((_VPAD,), jnp.float32),
            pltpu.VMEM((ROWS_PER_W * L,), jnp.int32),
            pltpu.VMEM((16,), jnp.float32),
            pltpu.VMEM((ROWS_PER_W,), jnp.float32),
            pltpu.SemaphoreType.DMA,
            pltpu.SemaphoreType.DMA,
        ],
        compiler_params=pltpu.CompilerParams(needs_layout_passes=False),
    )


def kernel(x, table, W, b):
    t, b16 = _project_table(table, W, b)
    return _make_pool_kernel()(t, x.reshape(B * L), b16)

# --- scband reference (transcript-rebuilt; emitter-appended) ---
"""Pipeline reference for scband-simple-baseline-classifier-67001489817638 (READ-ONLY COPY).

The authoritative reference and input builder live on the scoring server;
editing this copy changes nothing except your own understanding.
"""

import jax, jax.numpy as jnp
import numpy as np

VOCAB = 100000
EMBED_DIM = 128
BATCH = 4096
HIST = 200

def setup_inputs(seed: int = 0):
    key = jax.random.key(seed)
    k1, k2, k3, k4 = jax.random.split(key, 4)
    x = jax.random.randint(k1, (BATCH, HIST), 0, VOCAB, dtype=jnp.int32)
    table = jax.random.normal(k2, (VOCAB, EMBED_DIM), dtype=jnp.float32)
    # padding_idx=0: padding row is zero in torch's nn.Embedding
    table = table.at[0].set(0.0)
    W = jax.random.normal(k3, (1, EMBED_DIM), dtype=jnp.float32) * 0.05
    b = jax.random.normal(k4, (1,), dtype=jnp.float32) * 0.05
    return {"x": x, "table": table, "W": W, "b": b}

def reference(x, table, W, b):
    embedded = jnp.take(table, x, axis=0)            # [B, L, D]
    mask = (x != 0)[..., None].astype(jnp.float32)   # [B, L, 1]
    summed = (embedded * mask).sum(axis=1)           # [B, D]
    counts = jnp.clip(mask.sum(axis=1), 1.0, None)   # [B, 1]
    avg_embedded = summed / counts                   # [B, D]
    out = avg_embedded @ W.T + b                     # [B, 1]
    return out.squeeze()

if __name__ == "__main__":
    import jax
    _d = setup_inputs()
    print(jax.jit(kernel)(*tuple(_d.values())))

</pallas_src>

<mosaic_0001>
#map = affine_map<(d0, d1) -> (0)>
module attributes {stable_mosaic.version = 14 : i64} {
  func.func @_pool_body(%arg0: i32, %arg1: i32, %arg2: memref<102400xf32, #tpu.memory_space<hbm>>, %arg3: memref<819200xi32, #tpu.memory_space<hbm>>, %arg4: memref<16xf32, #tpu.memory_space<hbm>>, %arg5: memref<4096xf32, #tpu.memory_space<hbm>>, %arg6: memref<102400xf32, #tpu.memory_space<vmem>>, %arg7: memref<25600xi32, #tpu.memory_space<vmem>>, %arg8: memref<16xf32, #tpu.memory_space<vmem>>, %arg9: memref<128xf32, #tpu.memory_space<vmem>>, %arg10: memref<!tpu.dma_semaphore, #tpu.memory_space<semaphore_mem>>, %arg11: memref<!tpu.dma_semaphore, #tpu.memory_space<semaphore_mem>>) attributes {dimension_semantics = [#tpu.dimension_semantics<core_parallel>, #tpu.dimension_semantics<subcore_parallel>], iteration_bounds = array<i64: 2, 16>, scalar_prefetch = 0 : i64, scratch_operands = 6 : i64, tpu.core_type = #tpu.core_type<sc_vector_subcore>, window_params = [{transform_indices = #map}, {transform_indices = #map}, {transform_indices = #map}, {transform_indices = #map}]} {
    %mul3A = arith.constant 2 : i32
    %mul3A_0 = arith.muli %arg1, %mul3A : i32
    %add3A = arith.addi %mul3A_0, %arg0 : i32
    %mul3A_1 = arith.constant 128 : i32
    %mul3A_2 = arith.muli %add3A, %mul3A_1 : i32
    tpu.enqueue_dma source(%arg2 : memref<102400xf32, #tpu.memory_space<hbm>>) target(%arg6 : memref<102400xf32, #tpu.memory_space<vmem>>) target_semaphore(%arg10 : memref<!tpu.dma_semaphore, #tpu.memory_space<semaphore_mem>>)
    %mul3A_3 = arith.constant 200 : i32
    %mul3A_4 = arith.muli %mul3A_2, %mul3A_3 : i32
    %dma_start3A = tpu.memref_slice %arg3[%mul3A_4] : memref<819200xi32, #tpu.memory_space<hbm>> -> memref<25600xi32, #tpu.memory_space<hbm>>
    %dma_start3A_5 = tpu.memref_slice %arg3[%mul3A_4] : memref<819200xi32, #tpu.memory_space<hbm>> -> memref<25600xi32, #tpu.memory_space<hbm>>
    tpu.enqueue_dma source(%dma_start3A_5 : memref<25600xi32, #tpu.memory_space<hbm>>) target(%arg7 : memref<25600xi32, #tpu.memory_space<vmem>>) target_semaphore(%arg11 : memref<!tpu.dma_semaphore, #tpu.memory_space<semaphore_mem>>)
    "tpu.region"() ({
      %run_scoped3A = tpu.sem_alloc : memref<!tpu.dma_semaphore, #tpu.memory_space<semaphore_mem>>
      tpu.enqueue_dma source(%arg4 : memref<16xf32, #tpu.memory_space<hbm>>) target(%arg8 : memref<16xf32, #tpu.memory_space<vmem>>) target_semaphore(%run_scoped3A : memref<!tpu.dma_semaphore, #tpu.memory_space<semaphore_mem>>)
      tpu.wait_dma2 semaphore(%run_scoped3A : memref<!tpu.dma_semaphore, #tpu.memory_space<semaphore_mem>>) src(%arg4 : memref<16xf32, #tpu.memory_space<hbm>>) dst(%arg8 : memref<16xf32, #tpu.memory_space<vmem>>)
      tpu.yield
    }) : () -> ()
    %dma_wait3A = tpu.memref_slice %arg3[%mul3A_4] : memref<819200xi32, #tpu.memory_space<hbm>> -> memref<25600xi32, #tpu.memory_space<hbm>>
    %dma_wait3A_6 = tpu.memref_slice %arg3[%mul3A_4] : memref<819200xi32, #tpu.memory_space<hbm>> -> memref<25600xi32, #tpu.memory_space<hbm>>
    tpu.wait_dma2 semaphore(%arg11 : memref<!tpu.dma_semaphore, #tpu.memory_space<semaphore_mem>>) src(%dma_wait3A_6 : memref<25600xi32, #tpu.memory_space<hbm>>) dst(%arg7 : memref<25600xi32, #tpu.memory_space<vmem>>)
    tpu.wait_dma2 semaphore(%arg10 : memref<!tpu.dma_semaphore, #tpu.memory_space<semaphore_mem>>) src(%arg2 : memref<102400xf32, #tpu.memory_space<hbm>>) dst(%arg6 : memref<102400xf32, #tpu.memory_space<vmem>>)
    %iota3A = tpu.iota {dimensions = array<i32: 0>} : vector<16xi32>
    %broadcast_in_dim3A = arith.constant 0.000000e+00 : f32
    %broadcast_in_dim3A_7 = vector.broadcast %broadcast_in_dim3A : f32 to vector<16xf32>
    %broadcast_in_dim3A_8 = arith.constant 0 : i32
    %broadcast_in_dim3A_9 = vector.broadcast %broadcast_in_dim3A_8 : i32 to vector<16xi32>
    %broadcast_in_dim3A_10 = arith.constant 1 : i32
    %broadcast_in_dim3A_11 = vector.broadcast %broadcast_in_dim3A_10 : i32 to vector<16xi32>
    %get3A = arith.constant 0 : index
    %get3A_12 = tpu.vector_load %arg8[%get3A] {strides = array<i32>} : memref<16xf32, #tpu.memory_space<vmem>>, vector<16xf32>,
    %scan3A = arith.constant 0 : i32
    %scan3A_13 = arith.constant 0 : i32
    %scan3A_14 = arith.constant 8 : i32
    %scan3A_15 = arith.addi %scan3A_13, %scan3A_14 : i32
    %scan3A_16 = arith.constant 1 : i32
    %scan3A_17 = scf.for %scan3A_19 = %scan3A_13 to %scan3A_15 step %scan3A_16 iter_args(%scan3A_20 = %scan3A) -> (i32)  : i32 {
      %mul3A_21 = arith.constant 16 : i32
      %mul3A_22 = arith.muli %scan3A_19, %mul3A_21 : i32
      %add3A_23 = vector.broadcast %mul3A_22 : i32 to vector<16xi32>
      %add3A_24 = arith.addi %add3A_23, %iota3A : vector<16xi32>
      %mul3A_25 = arith.constant 200 : i32
      %mul3A_26 = vector.broadcast %mul3A_25 : i32 to vector<16xi32>
      %mul3A_27 = arith.muli %add3A_24, %mul3A_26 : vector<16xi32>
      %scan3A_28 = arith.constant 0 : i32
      %scan3A_29 = arith.constant 200 : i32
      %scan3A_30 = arith.addi %scan3A_28, %scan3A_29 : i32
      %scan3A_31 = arith.constant 25 : i32
      %scan3A_32:2 = scf.for %scan3A_41 = %scan3A_28 to %scan3A_30 step %scan3A_31 iter_args(%scan3A_42 = %broadcast_in_dim3A_7, %scan3A_43 = %broadcast_in_dim3A_9) -> (vector<16xf32>, vector<16xi32>)  : i32 {
        %add3A_44 = vector.broadcast %scan3A_41 : i32 to vector<16xi32>
        %add3A_45 = arith.addi %mul3A_27, %add3A_44 : vector<16xi32>
        %gather3A = tpu.vector_load_idx %arg7[%add3A_45] : memref<25600xi32, #tpu.memory_space<vmem>>[vector<16xi32>], vector<16xi32>,
        %gather3A_46 = tpu.vector_load_idx %arg6[%gather3A] : memref<102400xf32, #tpu.memory_space<vmem>>[vector<16xi32>], vector<16xf32>,
        %add3A_47 = arith.addf %scan3A_42, %gather3A_46 : vector<16xf32>
        %min3A = arith.minsi %gather3A, %broadcast_in_dim3A_11 : vector<16xi32>
        %add3A_48 = arith.addi %scan3A_43, %min3A : vector<16xi32>
        %scan3A_49 = arith.constant 1 : i32
        %scan3A_50 = arith.addi %scan3A_41, %scan3A_49 : i32
        %add3A_51 = vector.broadcast %scan3A_50 : i32 to vector<16xi32>
        %add3A_52 = arith.addi %mul3A_27, %add3A_51 : vector<16xi32>
        %gather3A_53 = tpu.vector_load_idx %arg7[%add3A_52] : memref<25600xi32, #tpu.memory_space<vmem>>[vector<16xi32>], vector<16xi32>,
        %gather3A_54 = tpu.vector_load_idx %arg6[%gather3A_53] : memref<102400xf32, #tpu.memory_space<vmem>>[vector<16xi32>], vector<16xf32>,
        %add3A_55 = arith.addf %add3A_47, %gather3A_54 : vector<16xf32>
        %min3A_56 = arith.minsi %gather3A_53, %broadcast_in_dim3A_11 : vector<16xi32>
        %add3A_57 = arith.addi %add3A_48, %min3A_56 : vector<16xi32>
        %scan3A_58 = arith.constant 2 : i32
        %scan3A_59 = arith.addi %scan3A_41, %scan3A_58 : i32
        %add3A_60 = vector.broadcast %scan3A_59 : i32 to vector<16xi32>
        %add3A_61 = arith.addi %mul3A_27, %add3A_60 : vector<16xi32>
        %gather3A_62 = tpu.vector_load_idx %arg7[%add3A_61] : memref<25600xi32, #tpu.memory_space<vmem>>[vector<16xi32>], vector<16xi32>,
        %gather3A_63 = tpu.vector_load_idx %arg6[%gather3A_62] : memref<102400xf32, #tpu.memory_space<vmem>>[vector<16xi32>], vector<16xf32>,
        %add3A_64 = arith.addf %add3A_55, %gather3A_63 : vector<16xf32>
        %min3A_65 = arith.minsi %gather3A_62, %broadcast_in_dim3A_11 : vector<16xi32>
        %add3A_66 = arith.addi %add3A_57, %min3A_65 : vector<16xi32>
        %scan3A_67 = arith.constant 3 : i32
        %scan3A_68 = arith.addi %scan3A_41, %scan3A_67 : i32
        %add3A_69 = vector.broadcast %scan3A_68 : i32 to vector<16xi32>
        %add3A_70 = arith.addi %mul3A_27, %add3A_69 : vector<16xi32>
        %gather3A_71 = tpu.vector_load_idx %arg7[%add3A_70] : memref<25600xi32, #tpu.memory_space<vmem>>[vector<16xi32>], vector<16xi32>,
        %gather3A_72 = tpu.vector_load_idx %arg6[%gather3A_71] : memref<102400xf32, #tpu.memory_space<vmem>>[vector<16xi32>], vector<16xf32>,
        %add3A_73 = arith.addf %add3A_64, %gather3A_72 : vector<16xf32>
        %min3A_74 = arith.minsi %gather3A_71, %broadcast_in_dim3A_11 : vector<16xi32>
        %add3A_75 = arith.addi %add3A_66, %min3A_74 : vector<16xi32>
        %scan3A_76 = arith.constant 4 : i32
        %scan3A_77 = arith.addi %scan3A_41, %scan3A_76 : i32
        %add3A_78 = vector.broadcast %scan3A_77 : i32 to vector<16xi32>
        %add3A_79 = arith.addi %mul3A_27, %add3A_78 : vector<16xi32>
        %gather3A_80 = tpu.vector_load_idx %arg7[%add3A_79] : memref<25600xi32, #tpu.memory_space<vmem>>[vector<16xi32>], vector<16xi32>,
        %gather3A_81 = tpu.vector_load_idx %arg6[%gather3A_80] : memref<102400xf32, #tpu.memory_space<vmem>>[vector<16xi32>], vector<16xf32>,
        %add3A_82 = arith.addf %add3A_73, %gather3A_81 : vector<16xf32>
        %min3A_83 = arith.minsi %gather3A_80, %broadcast_in_dim3A_11 : vector<16xi32>
        %add3A_84 = arith.addi %add3A_75, %min3A_83 : vector<16xi32>
        %scan3A_85 = arith.constant 5 : i32
        %scan3A_86 = arith.addi %scan3A_41, %scan3A_85 : i32
        %add3A_87 = vector.broadcast %scan3A_86 : i32 to vector<16xi32>
        %add3A_88 = arith.addi %mul3A_27, %add3A_87 : vector<16xi32>
        %gather3A_89 = tpu.vector_load_idx %arg7[%add3A_88] : memref<25600xi32, #tpu.memory_space<vmem>>[vector<16xi32>], vector<16xi32>,
        %gather3A_90 = tpu.vector_load_idx %arg6[%gather3A_89] : memref<102400xf32, #tpu.memory_space<vmem>>[vector<16xi32>], vector<16xf32>,
        %add3A_91 = arith.addf %add3A_82, %gather3A_90 : vector<16xf32>
        %min3A_92 = arith.minsi %gather3A_89, %broadcast_in_dim3A_11 : vector<16xi32>
        %add3A_93 = arith.addi %add3A_84, %min3A_92 : vector<16xi32>
        %scan3A_94 = arith.constant 6 : i32
        %scan3A_95 = arith.addi %scan3A_41, %scan3A_94 : i32
        %add3A_96 = vector.broadcast %scan3A_95 : i32 to vector<16xi32>
        %add3A_97 = arith.addi %mul3A_27, %add3A_96 : vector<16xi32>
        %gather3A_98 = tpu.vector_load_idx %arg7[%add3A_97] : memref<25600xi32, #tpu.memory_space<vmem>>[vector<16xi32>], vector<16xi32>,
        %gather3A_99 = tpu.vector_load_idx %arg6[%gather3A_98] : memref<102400xf32, #tpu.memory_space<vmem>>[vector<16xi32>], vector<16xf32>,
        %add3A_100 = arith.addf %add3A_91, %gather3A_99 : vector<16xf32>
        %min3A_101 = arith.minsi %gather3A_98, %broadcast_in_dim3A_11 : vector<16xi32>
        %add3A_102 = arith.addi %add3A_93, %min3A_101 : vector<16xi32>
        %scan3A_103 = arith.constant 7 : i32
        %scan3A_104 = arith.addi %scan3A_41, %scan3A_103 : i32
        %add3A_105 = vector.broadcast %scan3A_104 : i32 to vector<16xi32>
        %add3A_106 = arith.addi %mul3A_27, %add3A_105 : vector<16xi32>
        %gather3A_107 = tpu.vector_load_idx %arg7[%add3A_106] : memref<25600xi32, #tpu.memory_space<vmem>>[vector<16xi32>], vector<16xi32>,
        %gather3A_108 = tpu.vector_load_idx %arg6[%gather3A_107] : memref<102400xf32, #tpu.memory_space<vmem>>[vector<16xi32>], vector<16xf32>,
        %add3A_109 = arith.addf %add3A_100, %gather3A_108 : vector<16xf32>
        %min3A_110 = arith.minsi %gather3A_107, %broadcast_in_dim3A_11 : vector<16xi32>
        %add3A_111 = arith.addi %add3A_102, %min3A_110 : vector<16xi32>
        %scan3A_112 = arith.constant 8 : i32
        %scan3A_113 = arith.addi %scan3A_41, %scan3A_112 : i32
        %add3A_114 = vector.broadcast %scan3A_113 : i32 to vector<16xi32>
        %add3A_115 = arith.addi %mul3A_27, %add3A_114 : vector<16xi32>
        %gather3A_116 = tpu.vector_load_idx %arg7[%add3A_115] : memref<25600xi32, #tpu.memory_space<vmem>>[vector<16xi32>], vector<16xi32>,
        %gather3A_117 = tpu.vector_load_idx %arg6[%gather3A_116] : memref<102400xf32, #tpu.memory_space<vmem>>[vector<16xi32>], vector<16xf32>,
        %add3A_118 = arith.addf %add3A_109, %gather3A_117 : vector<16xf32>
        %min3A_119 = arith.minsi %gather3A_116, %broadcast_in_dim3A_11 : vector<16xi32>
        %add3A_120 = arith.addi %add3A_111, %min3A_119 : vector<16xi32>
        %scan3A_121 = arith.constant 9 : i32
        %scan3A_122 = arith.addi %scan3A_41, %scan3A_121 : i32
        %add3A_123 = vector.broadcast %scan3A_122 : i32 to vector<16xi32>
        %add3A_124 = arith.addi %mul3A_27, %add3A_123 : vector<16xi32>
        %gather3A_125 = tpu.vector_load_idx %arg7[%add3A_124] : memref<25600xi32, #tpu.memory_space<vmem>>[vector<16xi32>], vector<16xi32>,
        %gather3A_126 = tpu.vector_load_idx %arg6[%gather3A_125] : memref<102400xf32, #tpu.memory_space<vmem>>[vector<16xi32>], vector<16xf32>,
        %add3A_127 = arith.addf %add3A_118, %gather3A_126 : vector<16xf32>
        %min3A_128 = arith.minsi %gather3A_125, %broadcast_in_dim3A_11 : vector<16xi32>
        %add3A_129 = arith.addi %add3A_120, %min3A_128 : vector<16xi32>
        %scan3A_130 = arith.constant 10 : i32
        %scan3A_131 = arith.addi %scan3A_41, %scan3A_130 : i32
        %add3A_132 = vector.broadcast %scan3A_131 : i32 to vector<16xi32>
        %add3A_133 = arith.addi %mul3A_27, %add3A_132 : vector<16xi32>
        %gather3A_134 = tpu.vector_load_idx %arg7[%add3A_133] : memref<25600xi32, #tpu.memory_space<vmem>>[vector<16xi32>], vector<16xi32>,
        %gather3A_135 = tpu.vector_load_idx %arg6[%gather3A_134] : memref<102400xf32, #tpu.memory_space<vmem>>[vector<16xi32>], vector<16xf32>,
        %add3A_136 = arith.addf %add3A_127, %gather3A_135 : vector<16xf32>
        %min3A_137 = arith.minsi %gather3A_134, %broadcast_in_dim3A_11 : vector<16xi32>
        %add3A_138 = arith.addi %add3A_129, %min3A_137 : vector<16xi32>
        %scan3A_139 = arith.constant 11 : i32
        %scan3A_140 = arith.addi %scan3A_41, %scan3A_139 : i32
        %add3A_141 = vector.broadcast %scan3A_140 : i32 to vector<16xi32>
        %add3A_142 = arith.addi %mul3A_27, %add3A_141 : vector<16xi32>
        %gather3A_143 = tpu.vector_load_idx %arg7[%add3A_142] : memref<25600xi32, #tpu.memory_space<vmem>>[vector<16xi32>], vector<16xi32>,
        %gather3A_144 = tpu.vector_load_idx %arg6[%gather3A_143] : memref<102400xf32, #tpu.memory_space<vmem>>[vector<16xi32>], vector<16xf32>,
        %add3A_145 = arith.addf %add3A_136, %gather3A_144 : vector<16xf32>
        %min3A_146 = arith.minsi %gather3A_143, %broadcast_in_dim3A_11 : vector<16xi32>
        %add3A_147 = arith.addi %add3A_138, %min3A_146 : vector<16xi32>
        %scan3A_148 = arith.constant 12 : i32
        %scan3A_149 = arith.addi %scan3A_41, %scan3A_148 : i32
        %add3A_150 = vector.broadcast %scan3A_149 : i32 to vector<16xi32>
        %add3A_151 = arith.addi %mul3A_27, %add3A_150 : vector<16xi32>
        %gather3A_152 = tpu.vector_load_idx %arg7[%add3A_151] : memref<25600xi32, #tpu.memory_space<vmem>>[vector<16xi32>], vector<16xi32>,
        %gather3A_153 = tpu.vector_load_idx %arg6[%gather3A_152] : memref<102400xf32, #tpu.memory_space<vmem>>[vector<16xi32>], vector<16xf32>,
        %add3A_154 = arith.addf %add3A_145, %gather3A_153 : vector<16xf32>
        %min3A_155 = arith.minsi %gather3A_152, %broadcast_in_dim3A_11 : vector<16xi32>
        %add3A_156 = arith.addi %add3A_147, %min3A_155 : vector<16xi32>
        %scan3A_157 = arith.constant 13 : i32
        %scan3A_158 = arith.addi %scan3A_41, %scan3A_157 : i32
        %add3A_159 = vector.broadcast %scan3A_158 : i32 to vector<16xi32>
        %add3A_160 = arith.addi %mul3A_27, %add3A_159 : vector<16xi32>
        %gather3A_161 = tpu.vector_load_idx %arg7[%add3A_160] : memref<25600xi32, #tpu.memory_space<vmem>>[vector<16xi32>], vector<16xi32>,
        %gather3A_162 = tpu.vector_load_idx %arg6[%gather3A_161] : memref<102400xf32, #tpu.memory_space<vmem>>[vector<16xi32>], vector<16xf32>,
        %add3A_163 = arith.addf %add3A_154, %gather3A_162 : vector<16xf32>
        %min3A_164 = arith.minsi %gather3A_161, %broadcast_in_dim3A_11 : vector<16xi32>
        %add3A_165 = arith.addi %add3A_156, %min3A_164 : vector<16xi32>
        %scan3A_166 = arith.constant 14 : i32
        %scan3A_167 = arith.addi %scan3A_41, %scan3A_166 : i32
        %add3A_168 = vector.broadcast %scan3A_167 : i32 to vector<16xi32>
        %add3A_169 = arith.addi %mul3A_27, %add3A_168 : vector<16xi32>
        %gather3A_170 = tpu.vector_load_idx %arg7[%add3A_169] : memref<25600xi32, #tpu.memory_space<vmem>>[vector<16xi32>], vector<16xi32>,
        %gather3A_171 = tpu.vector_load_idx %arg6[%gather3A_170] : memref<102400xf32, #tpu.memory_space<vmem>>[vector<16xi32>], vector<16xf32>,
        %add3A_172 = arith.addf %add3A_163, %gather3A_171 : vector<16xf32>
        %min3A_173 = arith.minsi %gather3A_170, %broadcast_in_dim3A_11 : vector<16xi32>
        %add3A_174 = arith.addi %add3A_165, %min3A_173 : vector<16xi32>
        %scan3A_175 = arith.constant 15 : i32
        %scan3A_176 = arith.addi %scan3A_41, %scan3A_175 : i32
        %add3A_177 = vector.broadcast %scan3A_176 : i32 to vector<16xi32>
        %add3A_178 = arith.addi %mul3A_27, %add3A_177 : vector<16xi32>
        %gather3A_179 = tpu.vector_load_idx %arg7[%add3A_178] : memref<25600xi32, #tpu.memory_space<vmem>>[vector<16xi32>], vector<16xi32>,
        %gather3A_180 = tpu.vector_load_idx %arg6[%gather3A_179] : memref<102400xf32, #tpu.memory_space<vmem>>[vector<16xi32>], vector<16xf32>,
        %add3A_181 = arith.addf %add3A_172, %gather3A_180 : vector<16xf32>
        %min3A_182 = arith.minsi %gather3A_179, %broadcast_in_dim3A_11 : vector<16xi32>
        %add3A_183 = arith.addi %add3A_174, %min3A_182 : vector<16xi32>
        %scan3A_184 = arith.constant 16 : i32
        %scan3A_185 = arith.addi %scan3A_41, %scan3A_184 : i32
        %add3A_186 = vector.broadcast %scan3A_185 : i32 to vector<16xi32>
        %add3A_187 = arith.addi %mul3A_27, %add3A_186 : vector<16xi32>
        %gather3A_188 = tpu.vector_load_idx %arg7[%add3A_187] : memref<25600xi32, #tpu.memory_space<vmem>>[vector<16xi32>], vector<16xi32>,
        %gather3A_189 = tpu.vector_load_idx %arg6[%gather3A_188] : memref<102400xf32, #tpu.memory_space<vmem>>[vector<16xi32>], vector<16xf32>,
        %add3A_190 = arith.addf %add3A_181, %gather3A_189 : vector<16xf32>
        %min3A_191 = arith.minsi %gather3A_188, %broadcast_in_dim3A_11 : vector<16xi32>
        %add3A_192 = arith.addi %add3A_183, %min3A_191 : vector<16xi32>
        %scan3A_193 = arith.constant 17 : i32
        %scan3A_194 = arith.addi %scan3A_41, %scan3A_193 : i32
        %add3A_195 = vector.broadcast %scan3A_194 : i32 to vector<16xi32>
        %add3A_196 = arith.addi %mul3A_27, %add3A_195 : vector<16xi32>
        %gather3A_197 = tpu.vector_load_idx %arg7[%add3A_196] : memref<25600xi32, #tpu.memory_space<vmem>>[vector<16xi32>], vector<16xi32>,
        %gather3A_198 = tpu.vector_load_idx %arg6[%gather3A_197] : memref<102400xf32, #tpu.memory_space<vmem>>[vector<16xi32>], vector<16xf32>,
        %add3A_199 = arith.addf %add3A_190, %gather3A_198 : vector<16xf32>
        %min3A_200 = arith.minsi %gather3A_197, %broadcast_in_dim3A_11 : vector<16xi32>
        %add3A_201 = arith.addi %add3A_192, %min3A_200 : vector<16xi32>
        %scan3A_202 = arith.constant 18 : i32
        %scan3A_203 = arith.addi %scan3A_41, %scan3A_202 : i32
        %add3A_204 = vector.broadcast %scan3A_203 : i32 to vector<16xi32>
        %add3A_205 = arith.addi %mul3A_27, %add3A_204 : vector<16xi32>
        %gather3A_206 = tpu.vector_load_idx %arg7[%add3A_205] : memref<25600xi32, #tpu.memory_space<vmem>>[vector<16xi32>], vector<16xi32>,
        %gather3A_207 = tpu.vector_load_idx %arg6[%gather3A_206] : memref<102400xf32, #tpu.memory_space<vmem>>[vector<16xi32>], vector<16xf32>,
        %add3A_208 = arith.addf %add3A_199, %gather3A_207 : vector<16xf32>
        %min3A_209 = arith.minsi %gather3A_206, %broadcast_in_dim3A_11 : vector<16xi32>
        %add3A_210 = arith.addi %add3A_201, %min3A_209 : vector<16xi32>
        %scan3A_211 = arith.constant 19 : i32
        %scan3A_212 = arith.addi %scan3A_41, %scan3A_211 : i32
        %add3A_213 = vector.broadcast %scan3A_212 : i32 to vector<16xi32>
        %add3A_214 = arith.addi %mul3A_27, %add3A_213 : vector<16xi32>
        %gather3A_215 = tpu.vector_load_idx %arg7[%add3A_214] : memref<25600xi32, #tpu.memory_space<vmem>>[vector<16xi32>], vector<16xi32>,
        %gather3A_216 = tpu.vector_load_idx %arg6[%gather3A_215] : memref<102400xf32, #tpu.memory_space<vmem>>[vector<16xi32>], vector<16xf32>,
        %add3A_217 = arith.addf %add3A_208, %gather3A_216 : vector<16xf32>
        %min3A_218 = arith.minsi %gather3A_215, %broadcast_in_dim3A_11 : vector<16xi32>
        %add3A_219 = arith.addi %add3A_210, %min3A_218 : vector<16xi32>
        %scan3A_220 = arith.constant 20 : i32
        %scan3A_221 = arith.addi %scan3A_41, %scan3A_220 : i32
        %add3A_222 = vector.broadcast %scan3A_221 : i32 to vector<16xi32>
        %add3A_223 = arith.addi %mul3A_27, %add3A_222 : vector<16xi32>
        %gather3A_224 = tpu.vector_load_idx %arg7[%add3A_223] : memref<25600xi32, #tpu.memory_space<vmem>>[vector<16xi32>], vector<16xi32>,
        %gather3A_225 = tpu.vector_load_idx %arg6[%gather3A_224] : memref<102400xf32, #tpu.memory_space<vmem>>[vector<16xi32>], vector<16xf32>,
        %add3A_226 = arith.addf %add3A_217, %gather3A_225 : vector<16xf32>
        %min3A_227 = arith.minsi %gather3A_224, %broadcast_in_dim3A_11 : vector<16xi32>
        %add3A_228 = arith.addi %add3A_219, %min3A_227 : vector<16xi32>
        %scan3A_229 = arith.constant 21 : i32
        %scan3A_230 = arith.addi %scan3A_41, %scan3A_229 : i32
        %add3A_231 = vector.broadcast %scan3A_230 : i32 to vector<16xi32>
        %add3A_232 = arith.addi %mul3A_27, %add3A_231 : vector<16xi32>
        %gather3A_233 = tpu.vector_load_idx %arg7[%add3A_232] : memref<25600xi32, #tpu.memory_space<vmem>>[vector<16xi32>], vector<16xi32>,
        %gather3A_234 = tpu.vector_load_idx %arg6[%gather3A_233] : memref<102400xf32, #tpu.memory_space<vmem>>[vector<16xi32>], vector<16xf32>,
        %add3A_235 = arith.addf %add3A_226, %gather3A_234 : vector<16xf32>
        %min3A_236 = arith.minsi %gather3A_233, %broadcast_in_dim3A_11 : vector<16xi32>
        %add3A_237 = arith.addi %add3A_228, %min3A_236 : vector<16xi32>
        %scan3A_238 = arith.constant 22 : i32
        %scan3A_239 = arith.addi %scan3A_41, %scan3A_238 : i32
        %add3A_240 = vector.broadcast %scan3A_239 : i32 to vector<16xi32>
        %add3A_241 = arith.addi %mul3A_27, %add3A_240 : vector<16xi32>
        %gather3A_242 = tpu.vector_load_idx %arg7[%add3A_241] : memref<25600xi32, #tpu.memory_space<vmem>>[vector<16xi32>], vector<16xi32>,
        %gather3A_243 = tpu.vector_load_idx %arg6[%gather3A_242] : memref<102400xf32, #tpu.memory_space<vmem>>[vector<16xi32>], vector<16xf32>,
        %add3A_244 = arith.addf %add3A_235, %gather3A_243 : vector<16xf32>
        %min3A_245 = arith.minsi %gather3A_242, %broadcast_in_dim3A_11 : vector<16xi32>
        %add3A_246 = arith.addi %add3A_237, %min3A_245 : vector<16xi32>
        %scan3A_247 = arith.constant 23 : i32
        %scan3A_248 = arith.addi %scan3A_41, %scan3A_247 : i32
        %add3A_249 = vector.broadcast %scan3A_248 : i32 to vector<16xi32>
        %add3A_250 = arith.addi %mul3A_27, %add3A_249 : vector<16xi32>
        %gather3A_251 = tpu.vector_load_idx %arg7[%add3A_250] : memref<25600xi32, #tpu.memory_space<vmem>>[vector<16xi32>], vector<16xi32>,
        %gather3A_252 = tpu.vector_load_idx %arg6[%gather3A_251] : memref<102400xf32, #tpu.memory_space<vmem>>[vector<16xi32>], vector<16xf32>,
        %add3A_253 = arith.addf %add3A_244, %gather3A_252 : vector<16xf32>
        %min3A_254 = arith.minsi %gather3A_251, %broadcast_in_dim3A_11 : vector<16xi32>
        %add3A_255 = arith.addi %add3A_246, %min3A_254 : vector<16xi32>
        %scan3A_256 = arith.constant 24 : i32
        %scan3A_257 = arith.addi %scan3A_41, %scan3A_256 : i32
        %add3A_258 = vector.broadcast %scan3A_257 : i32 to vector<16xi32>
        %add3A_259 = arith.addi %mul3A_27, %add3A_258 : vector<16xi32>
        %gather3A_260 = tpu.vector_load_idx %arg7[%add3A_259] : memref<25600xi32, #tpu.memory_space<vmem>>[vector<16xi32>], vector<16xi32>,
        %gather3A_261 = tpu.vector_load_idx %arg6[%gather3A_260] : memref<102400xf32, #tpu.memory_space<vmem>>[vector<16xi32>], vector<16xf32>,
        %add3A_262 = arith.addf %add3A_253, %gather3A_261 : vector<16xf32>
        %min3A_263 = arith.minsi %gather3A_260, %broadcast_in_dim3A_11 : vector<16xi32>
        %add3A_264 = arith.addi %add3A_255, %min3A_263 : vector<16xi32>
        scf.yield %add3A_262, %add3A_264 : vector<16xf32>, vector<16xi32>
      }
      %scan3A_33 = arith.constant 200 : i32
      %convert_element_type3A = arith.sitofp %scan3A_32#1 : vector<16xi32> to vector<16xf32>
      %max3A = arith.constant 1.000000e+00 : f32
      %max3A_34 = vector.broadcast %max3A : f32 to vector<16xf32>
      %max3A_35 = arith.maximumf %convert_element_type3A, %max3A_34 : vector<16xf32>
      %div3A = arith.divf %scan3A_32#0, %max3A_35 : vector<16xf32>
      %add3A_36 = arith.addf %div3A, %get3A_12 : vector<16xf32>
      %mul3A_37 = arith.constant 16 : i32
      %mul3A_38 = arith.muli %scan3A_19, %mul3A_37 : i32
      %multiple_of3A = tpu.assume_multiple %mul3A_38, 16 : i32
      %swap3A = arith.index_cast %multiple_of3A : i32 to index
      %swap3A_39 = tpu.vector_load %arg9[%swap3A] {strides = array<i32>} : memref<128xf32, #tpu.memory_space<vmem>>, vector<16xf32>,
      tpu.vector_store %arg9[%swap3A], %add3A_36 {strides = array<i32>} : memref<128xf32, #tpu.memory_space<vmem>>, vector<16xf32>,
      %scan3A_40 = arith.constant 0 : i32
      scf.yield %scan3A_40 : i32
    }
    %scan3A_18 = arith.constant 8 : i32
    "tpu.region"() ({
      %run_scoped3A = tpu.sem_alloc : memref<!tpu.dma_semaphore, #tpu.memory_space<semaphore_mem>>
      %dma_start3A_19 = tpu.memref_slice %arg5[%mul3A_2] : memref<4096xf32, #tpu.memory_space<hbm>> -> memref<128xf32, #tpu.memory_space<hbm>>
      %dma_start3A_20 = tpu.memref_slice %arg5[%mul3A_2] : memref<4096xf32, #tpu.memory_space<hbm>> -> memref<128xf32, #tpu.memory_space<hbm>>
      tpu.enqueue_dma source(%arg9 : memref<128xf32, #tpu.memory_space<vmem>>) target(%dma_start3A_20 : memref<128xf32, #tpu.memory_space<hbm>>) target_semaphore(%run_scoped3A : memref<!tpu.dma_semaphore, #tpu.memory_space<semaphore_mem>>)
      %dma_wait3A_21 = tpu.memref_slice %arg5[%mul3A_2] : memref<4096xf32, #tpu.memory_space<hbm>> -> memref<128xf32, #tpu.memory_space<hbm>>
      %dma_wait3A_22 = tpu.memref_slice %arg5[%mul3A_2] : memref<4096xf32, #tpu.memory_space<hbm>> -> memref<128xf32, #tpu.memory_space<hbm>>
      tpu.wait_dma2 semaphore(%run_scoped3A : memref<!tpu.dma_semaphore, #tpu.memory_space<semaphore_mem>>) src(%arg9 : memref<128xf32, #tpu.memory_space<vmem>>) dst(%dma_wait3A_22 : memref<128xf32, #tpu.memory_space<hbm>>)
      tpu.yield
    }) : () -> ()
    return
  }
}

module attributes {stable_mosaic.version = 14 : i64} {
  func.func @_project_body(%arg0: i32, %arg1: memref<12800x128xf32, #tpu.memory_space<vmem>>, %arg2: memref<1x128xf32, #tpu.memory_space<vmem>>, %arg3: memref<1xf32, #tpu.memory_space<vmem>>, %arg4: memref<102400xf32, #tpu.memory_space<vmem>>, %arg5: memref<16xf32, #tpu.memory_space<vmem>>) attributes {dimension_semantics = [#tpu.dimension_semantics<arbitrary>], iteration_bounds = array<i64: 8>, scalar_prefetch = 0 : i64, scratch_operands = 0 : i64, tpu.core_type = #tpu.core_type<tc>, window_params = [{transform_indices = @transform_0, window_bounds = array<i64: 12800, 128>}, {pipeline_mode = #tpu.pipeline_mode<synchronous>, transform_indices = @transform_1, window_bounds = array<i64: 1, 128>}, {pipeline_mode = #tpu.pipeline_mode<synchronous>, transform_indices = @transform_2, window_bounds = array<i64: 1>}, {pipeline_mode = #tpu.pipeline_mode<synchronous>, transform_indices = @transform_3, window_bounds = array<i64: 102400>}, {pipeline_mode = #tpu.pipeline_mode<synchronous>, transform_indices = @transform_4, window_bounds = array<i64: 16>}]} {
    %get3A = arith.constant 0 : index
    %get3A_0 = arith.constant 0 : index
    %get3A_1 = vector.load %arg2[%get3A, %get3A_0] : memref<1x128xf32, #tpu.memory_space<vmem>>, vector<1x128xf32>
    %get3A_2 = arith.constant 0 : index
    %get3A_3 = arith.constant 0 : index
    %get3A_4 = vector.load %arg1[%get3A_2, %get3A_3] : memref<12800x128xf32, #tpu.memory_space<vmem>>, vector<12800x128xf32>
    %mul3A = vector.broadcast %get3A_1 : vector<1x128xf32> to vector<12800x128xf32>
    %mul3A_5 = arith.mulf %get3A_4, %mul3A : vector<12800x128xf32>
    %reduce_sum3A = arith.constant dense<0.000000e+00> : vector<12800xf32>
    %reduce_sum3A_6 = vector.multi_reduction <add>, %mul3A_5, %reduce_sum3A [1] : vector<12800x128xf32> to vector<12800xf32>
    %mul3A_7 = arith.constant 12800 : i32
    %mul3A_8 = arith.muli %arg0, %mul3A_7 : i32
    %add3A = arith.constant 0 : i32
    %add3A_9 = arith.addi %mul3A_8, %add3A : i32
    %swap3A = arith.index_cast %add3A_9 : i32 to index
    %swap3A_10 = vector.load %arg4[%swap3A] : memref<102400xf32, #tpu.memory_space<vmem>>, vector<12800xf32>
    tpu.vector_store %arg4[%swap3A], %reduce_sum3A_6 {strides = array<i32>} : memref<102400xf32, #tpu.memory_space<vmem>>, vector<12800xf32>,
    %get3A_11 = arith.constant 0 : index
    %get3A_12 = vector.load %arg3[%get3A_11] : memref<1xf32, #tpu.memory_space<vmem>>, vector<1xf32>
    %broadcast_in_dim3A = vector.shape_cast %get3A_12 : vector<1xf32> to vector<1xf32>
    %broadcast_in_dim3A_13 = vector.broadcast %broadcast_in_dim3A : vector<1xf32> to vector<16xf32>
    %swap3A_14 = arith.constant 0 : index
    %swap3A_15 = vector.load %arg5[%swap3A_14] : memref<16xf32, #tpu.memory_space<vmem>>, vector<16xf32>
    tpu.vector_store %arg5[%swap3A_14], %broadcast_in_dim3A_13 {strides = array<i32>} : memref<16xf32, #tpu.memory_space<vmem>>, vector<16xf32>,
    return
  }
  func.func @transform_0(%arg0: i32) -> (i32, i32) {
    %mul3A = arith.constant 1 : i32
    %mul3A_0 = arith.muli %mul3A, %arg0 : i32
    %add3A = arith.constant 0 : i32
    %add3A_1 = arith.addi %mul3A_0, %add3A : i32
    %c0_i32 = arith.constant 0 : i32
    %c0_i32_2 = arith.constant 0 : i32
    return %add3A_1, %c0_i32 : i32, i32
  }
  func.func @transform_1(%arg0: i32) -> (i32, i32) {
    %c0_i32 = arith.constant 0 : i32
    %c0_i32_0 = arith.constant 0 : i32
    %c0_i32_1 = arith.constant 0 : i32
    return %c0_i32, %c0_i32_0 : i32, i32
  }
  func.func @transform_2(%arg0: i32) -> i32 {
    %c0_i32 = arith.constant 0 : i32
    %c0_i32_0 = arith.constant 0 : i32
    return %c0_i32 : i32
  }
  func.func @transform_3(%arg0: i32) -> i32 {
    %c0_i32 = arith.constant 0 : i32
    %c0_i32_0 = arith.constant 0 : i32
    return %c0_i32 : i32
  }
  func.func @transform_4(%arg0: i32) -> i32 {
    %c0_i32 = arith.constant 0 : i32
    %c0_i32_0 = arith.constant 0 : i32
    return %c0_i32 : i32
  }
}

</mosaic_0001>

<sc_bundles>
// kernel: kernel.4.cloned.1.call-start
scs
__scs_entry_jumppad:
0x0: {  	(pc) =	sbr.rel $0x88, $3  }
0x1: {  	(tag) =	ssettag $0x0;
	lr =	simm.s32 $0x1  }
0x2: {  	[smem:$0x3F9D] =	sst lr;
	_ =	strace $0xD0000000  }
0x3: {  	_ = 	snop  }
0x4: {  	_ = 	snop  }
0x5: {  	_ = 	snop  }
0x6: {  	_ = 	snop  }
0x7: {  	_ = 	snop  }
__scs_overlays_trampoline_lowered:
0x8: {  	[smem:$0x3FAC] =	sst s0  }
0x9: {  	[smem:$0x3FAD] =	sst s1  }
0xa: {  	[smem:$0x3FAE] =	sst s2  }
0xb: {  	[smem:$0x3FAF] =	sst s3  }
0xc: {  	[smem:$0x3FB0] =	sst s4  }
0xd: {  	[smem:$0x3FB1] =	sst s5  }
0xe: {  	[smem:$0x3FB2] =	sst s6  }
0xf: {  	[smem:$0x3FB3] =	sst s7  }
0x10: {  	[smem:$0x3FB4] =	sst s8  }
0x11: {  	[smem:$0x3FB5] =	sst s9;
	s0 =	simm.s32 @!p0 $0x0  }
0x12: {  	s1 =	sld [smem:$0x3F9B];
	s0 =	simm.s32 @p0 $0x1  }
0x13: {  	[smem:$0x3FB6] =	sst s0;
	s0 =	simm.s32 @!p1 $0x0  }
0x14: {  	s2 =	sld [smem:$0x3F9A];
	s0 =	simm.s32 @p1 $0x1  }
0x15: {  	[smem:$0x3FB7] =	sst s0;
	s0 =	simm.s32 @!p2 $0x0  }
0x16: {  	s3 =	sld [smem:$0x3FDB];
	s0 =	simm.s32 @p2 $0x1  }
0x17: {  	s4 =	simm.s32 $0x1BF5;
	[smem:$0x3FB9] =	sst s0  }
0x18: {  	s0 =	sld [smem:$0x3F9C];
	_ =	swait.ge [sflag:s4], $0x0  }
0x19: {  	s7 =	sld [smem:$0x3F9D]  }
0x1a: {  	s8 =	sadd.s32 $0xFFFFE003, lr  }
0x1b: {  	s9 =	sadd.s32 $0xFFFFFEF7, lr;
	s5 =	simm.s32 $0xFFFFFFFF;
	p2 =	slt.u32 s8, $0xFFFFF086  }
0x1c: {  	p1 =	slt.u32 s9, $0xF7A;
	s5 =	simm.s32 @!p2 $0x0  }
0x1d: {  	s5 =	simm.s32 @p1 $0x1;
	p0 =	seq.s32 s7, s2  }
0x1e: {  	s7 =	smul.u32 @!p0 $0xF7A, s2;
	p2 =	seq.s32 @!p0 s5, $0x0  }
0x1f: {  	s9 =	smul.u32 $0xF7A, s1;
	s8 =	simm.s32 @!p0 $0x1BF5;
	p2 =	por !p2, p0  }
0x20: {  	[sflag:s8] =	ssyncset.s32 @!p0 $0xFFFFF086;
	s6 =	sadd.s32 @!p0 s3, s7;
	s7 =	simm.s32 @!p0 $0x108  }
0x21: {  	s3 =	sadd.s32 s3, s9;
	s6 =	sadd.s32 @!p0 $0x88, s6;
	s7 =	simm.s32 @p2 $0x1082  }
0x22: {  	[simem:s7], [sflag:s8] =	dma.local @!p0 [hbm:s6], $0xF7A  }
0x23: {  	s9 =	sor.u32 $0xD0000000, s2;
	s6 =	simm.s32 $0x108;
	_ =	swait.ge @!p0 [sflag:s8], $0x0  }
0x24: {  	s3 =	sadd.s32 $0x88, s3;
	s6 =	simm.s32 @!p1 $0x1082;
	[sflag:s4] =	ssyncset.s32 $0xFFFFF086  }
0x25: {  	[simem:s6], [sflag:s4] =	dma.local [hbm:s3], $0xF7A  }
0x26: {  	[smem:$0x3F9D] =	sst s1;
	(tag) =	ssettag s2;
	_ =	strace s9  }
0x27: {  	s1 =	sld [smem:$0x3FAD]  }
0x28: {  	s2 =	sld [smem:$0x3FAE]  }
0x29: {  	s4 =	sld [smem:$0x3FB0]  }
0x2a: {  	p0 =	seq.s32 s5, $0x0;
	s5 =	sld [smem:$0x3FB1]  }
0x2b: {  	s6 =	sld [smem:$0x3FB2]  }
0x2c: {  	s7 =	sld [smem:$0x3FB3]  }
0x2d: {  	s3 =	simm.s32 $0x108;
	s8 =	sld [smem:$0x3FB4]  }
0x2e: {  	s3 =	simm.s32 @!p0 $0x1082;
	s9 =	sld [smem:$0x3FB5]  }
0x2f: {  	lr =	sadd.s32 s0, s3;
	s0 =	sld [smem:$0x3FAC]  }
0x30: {  	s3 =	sld [smem:$0x3FAF]  }
0x31: {  	[smem:$0x3FB8] =	sst s10  }
0x32: {  	s10 =	sld [smem:$0x3FB6];
	_ =	sdelay $0x3  }
0x33: {  	p0 =	seq.s32 s10, $0x1;
	s10 =	sld [smem:$0x3FB8];
	_ =	sdelay $0x3  }
0x34: {  	[smem:$0x3FB8] =	sst s10  }
0x35: {  	s10 =	sld [smem:$0x3FB7];
	_ =	sdelay $0x3  }
0x36: {  	p1 =	seq.s32 s10, $0x1;
	s10 =	sld [smem:$0x3FB8];
	_ =	sdelay $0x3  }
0x37: {  	[smem:$0x3FB8] =	sst s10  }
0x38: {  	s10 =	sld [smem:$0x3FB9]  }
0x39: {  	_ = 	snop;
	(pc) =	sbr.ind lr, $3  }
0x3a: {  	_ = 	snop  }
0x3b: {  	_ = 	snop  }
0x3c: {  	p2 =	seq.s32 s10, $0x1;
	s10 =	sld [smem:$0x3FB8]  }
0x3d: {  	_ =	shalt  }
0x3e: {  	_ =	shalt  }
0x3f: {  	_ =	shalt  }
0x40: {  	_ =	shalt  }
0x41: {  	_ =	shalt  }
0x42: {  	_ =	shalt  }
0x43: {  	_ =	shalt  }
0x44: {  	_ =	shalt  }
0x45: {  	_ =	shalt  }
0x46: {  	_ =	shalt  }
0x47: {  	_ =	shalt  }
0x48: {  	_ =	shalt  }
0x49: {  	_ =	shalt  }
0x4a: {  	_ =	shalt  }
0x4b: {  	_ =	shalt  }
0x4c: {  	_ =	shalt  }
0x4d: {  	_ =	shalt  }
0x4e: {  	_ =	shalt  }
0x4f: {  	_ =	shalt  }
0x50: {  	_ =	shalt  }
0x51: {  	_ =	shalt  }
0x52: {  	_ =	shalt  }
0x53: {  	_ =	shalt  }
0x54: {  	_ =	shalt  }
0x55: {  	_ =	shalt  }
0x56: {  	_ =	shalt  }
0x57: {  	_ =	shalt  }
0x58: {  	_ =	shalt  }
0x59: {  	_ =	shalt  }
0x5a: {  	_ =	shalt  }
0x5b: {  	_ =	shalt  }
0x5c: {  	_ =	shalt  }
0x5d: {  	_ =	shalt  }
0x5e: {  	_ =	shalt  }
0x5f: {  	_ =	shalt  }
0x60: {  	_ =	shalt  }
0x61: {  	_ =	shalt  }
0x62: {  	_ =	shalt  }
0x63: {  	_ =	shalt  }
0x64: {  	_ =	shalt  }
0x65: {  	_ =	shalt  }
0x66: {  	_ =	shalt  }
0x67: {  	_ =	shalt  }
0x68: {  	_ =	shalt  }
0x69: {  	_ =	shalt  }
0x6a: {  	_ =	shalt  }
0x6b: {  	_ =	shalt  }
0x6c: {  	_ =	shalt  }
0x6d: {  	_ =	shalt  }
0x6e: {  	_ =	shalt  }
0x6f: {  	_ =	shalt  }
0x70: {  	_ =	shalt  }
0x71: {  	_ =	shalt  }
0x72: {  	_ =	shalt  }
0x73: {  	_ =	shalt  }
0x74: {  	_ =	shalt  }
0x75: {  	_ =	shalt  }
0x76: {  	_ =	shalt  }
0x77: {  	_ =	shalt  }
0x78: {  	_ =	shalt  }
0x79: {  	_ =	shalt  }
0x7a: {  	_ =	shalt  }
0x7b: {  	_ =	shalt  }
0x7c: {  	_ =	shalt  }
0x7d: {  	_ =	shalt  }
0x7e: {  	_ =	shalt  }
0x7f: {  	_ =	shalt  }
0x80: {  	_ =	shalt  }
0x81: {  	_ =	shalt  }
0x82: {  	_ =	shalt  }
0x83: {  	_ =	shalt  }
0x84: {  	_ =	shalt  }
0x85: {  	_ =	shalt  }
0x86: {  	_ =	shalt  }
0x87: {  	_ =	shalt  }
.Lfunc_end0:
.L_simem_size_0:
called_computation_lowered:
.L_overlay_start_0:
0x88: {  	s2 =	sld [smem:$0x3FD9]  }
0x89: {  	s3 =	sld [smem:$0x3FFE];
	_ =	sdelay $0x1  }
0x8a: {  	s1 =	srdreg.scid  }
0x8b: {  	s0 =	sand.u32 $0x1, s1  }
0x8c: {  	s17 =	sshll.u32 s0, $0xA;
	s2 =	sadd.s32 s3, s2  }
0x8d: {  	s2 =	sadd.s32 s2, s17  }
0x8e: {  	[smem:$0x3FC4] =	sst s2  }
0x8f: {  	_ = 	snop  }
0x90: {  	s2 =	sld [smem:$0x3FD0];
	(tm) =	ssettm $0x1  }
0x91: {  	s18 =	sld [smem:$0x3FFB];
	_ =	sdelay $0x3  }
0x92: {  	_ =	strace s18  }
0x93: {  	s3 =	sld [smem:$0x3FFC];
	_ =	sdelay $0x3  }
0x94: {  	_ =	strace s3  }
0x95: {  	s3 =	sld [smem:$0x3FFD];
	_ =	sdelay $0x3  }
0x96: {  	_ =	strace s3  }
0x97: {  	_ =	strace $0x8FFFFFFF  }
0x98: {  	s19 =	sld [smem:$0x3FDB];
	_ =	sdelay $0x1  }
0x99: {  	s4 =	simm.s32 $_scs_section_size  }
0x9a: {  	s5 =	simm.s32 $_size__tile_overlayer_lowered;
	s6 =	simm.s32 $_tile_overlayer_lowered  }
0x9b: {  	s22 =	simm.s32 $0x1BFF;
	s21 =	sshll.u32 s6, $0x1;
	s3 =	sadd.s32 s4, s19  }
0x9c: {  	s7 =	simm.s32 $0x0;
	s20 =	sshll.u32 s5, $0x1;
	s5 =	sadd.s32 s21, s3  }
0x9d: {  	[timem:s7], [sflag:s22] =	dma.local [hbm:s5], s20  }
0x9e: {  	_ =	swait.ge [sflag:s22], s20  }
0x9f: {  	s4 =	ssub.s32 $0x0, s20;
	[sflag:s22] =	ssyncset.done $0x0  }
0xa0: {  	[sflag:s22] =	ssyncadd.s32 s4;
	_ =	sdelay $0x1  }
0xa1: {  	s23 =	simm.s32 $0x1B8B  }
0xa2: {  	_ =	swait.ge [sflag:s23], $0x1  }
0xa3: {  	[sflag:s23] =	ssyncset.done $0x0  }
0xa4: {  	s25 =	simm.s32 $0x1B8E;
	s24 =	sld [smem:$0x3FFE];
	[sflag:s23] =	ssyncadd.s32 $0xFFFFFFFF  }
0xa5: {  	s26 =	simm.s32 $execute0_lowered;
	[smem:$0x3FD2] =	sst s25  }
0xa6: {  	s5 =	sshll.u32 s26, $0x1;
	_ =	strace $0x80000046;
	[dreg:$0x1] =	wrdreg $0xFFFFFFFF  }
0xa7: {  	s28 =	simm.s32 $_size_execute0_lowered;
	s3 =	sadd.s32 s3, s5;
	[dreg:$0x0] =	wrdreg $0x0  }
0xa8: {  	s5 =	sshll.u32 s28, $0x1;
	[dreg:$0x2] =	wrdreg s3  }
0xa9: {  	[dreg:$0x3] =	wrdreg s5  }
0xaa: {  	[dreg:$0x4] =	wrdreg $0xC0  }
0xab: {  	_ =	task [dreg:s7], $0x5FFFF  }
0xac: {  	[dreg:$0x1] =	wrdreg $0xFFFFFFFF  }
0xad: {  	[dreg:$0x0] =	wrdreg $0x60  }
0xae: {  	[dreg:$0x2] =	wrdreg s24  }
0xaf: {  	[dreg:$0x3] =	wrdreg s2  }
0xb0: {  	[dreg:$0x4] =	wrdreg $0x9  }
0xb1: {  	_ =	task.clear_ibuf [dreg:s7], $0x5FFFF;
	_ =	strace $0x90000046  }
0xb2: {  	s29 =	simm.s32 $0x9;
	_ =	strace $0x80000048  }
0xb3: {  	_ =	swait.ge [sflag:s29], $0x1  }
0xb4: {  	[sflag:s29] =	ssyncadd.s32 $0xFFFFFFFF  }
0xb5: {  	_ =	strace $0x90000048  }
0xb6: {  	_ =	sfence  }
0xb7: {  	s30 =	sld [smem:$0x0];
	_ =	sdelay $0x2  }
0xb8: {  	s31 =	sshll.u32 s1, $0xD;
	s1 =	sshrl.u32 s1, $0x2  }
0xb9: {  	s3 =	sand.u32 $0x4000, s31;
	s1 =	sadd.s32 s1, s30  }
0xba: {  	s0 =	sor.u32 s3, s0;
	s1 =	sshll.u32 s1, $0x11  }
0xbb: {  	s0 =	sor.u32 s1, s0  }
0xbc: {  	s0 =	sadd.s32 $0x8F2B, s0  }
0xbd: {  	[sflag:s0] =	ssyncadd.remote.s32 $0x1  }
0xbe: {  	_ =	sfence.sel $0xFFFF  }
0xbf: {  	[dreg:$0x0] =	wrdreg $0xFFFFFFFF;
	(pc) =	sbr.abs _section_cstart, $3  }
0xc0: {  	[dreg:$0x1] =	wrdreg $0xFFFFFFFF  }
0xc1: {  	_ =	task.clear_ibuf [dreg:s7], $0x2FFFF;
	_ =	strace $0x9FFFFFFF  }
0xc2: {  	(tm) =	ssettm $0x7FFFFFFF  }
0xc3: {  	_ =	shalt  }
tec
execute0_lowered:
.L_overlay_start_1:
0x0: {  	(tag) =	ssettag $0x1  }
0x1: {  	s4 =	rddreg [dreg:$0x0];
	s1 =	srdreg.scid  }
0x2: {  	s0 =	stileid.u32;
	s6 =	rddreg [dreg:$0x1];
	s2 =	simm.s32 $0x0  }
0x3: {  	s10 =	simm.s32 $0x3;
	s11 =	simm.s32 $0x2;
	s12 =	simm.s32 $0x1  }
0x4: {  	s13 =	simm.s32 $0x1F480;
	s5 =	sand.u32 $0x1, s1;
	s1 =	rddreg [dreg:$0x2]  }
0x5: {  	s14 =	simm.s32 $0x0;
	s3 =	sshll.u32 s0, $0x1;
	[smem:$0x7FF] =	sst s2  }
0x6: {  	s7 =	sor.u32 s5, s3;
	_ =	strace $0x80000047;
	s5 =	ssub.s32 $0x2, s5  }
0x7: {  	s8 =	smul.u32 $0xC80, s7;
	s9 =	sshrl.u32 s5, $0x1;
	s7 =	sshll.u32 s7, $0x4  }
0x8: {  	s3 =	sadd.s32 $0x19C00, s4;
	s9 =	ssub.s32 s5, s9;
	s6 =	sadd.s32 s6, s7  }
0x9: {  	v0 =	vlaneseq.u32;
	s8 =	sadd.s32 s8, s4;
	s4 =	sadd.s32 $0x1CE00, s4;
	s7 =	smax.u32 s9, $0x1  }
0xa: {  	v0 =	vmul.u32 $0xC8, v0;
	s9 =	simm.s32 $0x1F400;
	s5 =	sadd.s32 $0xC00, s8;
	s8 =	simm.s32 $0x19000  }
.LBB2_1:
0xb: {  	[tilespmem:s2], [sflag:$0x1] =	stream.linear.gather [hbm4b:s3+s2], $0x19000, $0x38;
	[tilespmem:$0x1F500] =	vst v63  }
0xc: {  	_ = 	snop  }
0xd: {  	[tilespmem:s8], [sflag:$0x2] =	stream.linear.gather [hbm4b:s5+s2], $0x6400, $0x38;
	[tilespmem:$0x1F500] =	vst v63  }
0xe: {  	_ = 	snop  }
0xf: {  	[tilespmem:s9], [sflag:$0x3] =	stream.linear.gather [hbm4b:s4+s2], $0x80, $0x38;
	[tilespmem:$0x1F500] =	vst v63  }
0x10: {  	_ =	swait.ge [sflag:s10], $0x80  }
0x11: {  	[sflag:s10] =	ssyncset.done $0x0  }
0x12: {  	[sflag:s10] =	ssyncadd.s32 $0xFFFFFF80  }
0x13: {  	_ =	swait.ge [sflag:s11], $0x6400  }
0x14: {  	[sflag:s11] =	ssyncset.done $0x0  }
0x15: {  	[sflag:s11] =	ssyncadd.s32 $0xFFFF9C00  }
0x16: {  	_ =	swait.ge [sflag:s12], $0x19000  }
0x17: {  	[sflag:s12] =	ssyncset.done $0x0  }
0x18: {  	[sflag:s12] =	ssyncadd.s32 $0xFFFE7000  }
0x19: {  	s15 =	simm.s32 $0x0;
	v1 =	vld [tilespmem:$0x1F400]  }
.LBB2_2:
0x1a: {  	s16 =	sshll.u32 s15, $0x4  }
0x1b: {  	v2 =	vmov s16  }
0x1c: {  	v2 =	vmul.u32 $0xC8, v2;
	_ =	sdelay $0x1  }
0x1d: {  	v2 =	vbroadcast v2, $0x0;
	_ =	sdelay $0x1  }
0x1e: {  	s17 =	simm.s32 $0x0;
	v2 =	vadd.s32 v0, v2  }
0x1f: {  	s18 =	simm.s32 $0x18;
	v3 =	vadd.s32 s17, v2  }
0x20: {  	s20 =	simm.s32 $0x16;
	v4 =	vadd.s32 s18, v2  }
0x21: {  	s21 =	simm.s32 $0x14;
	v5 =	vadd.s32 s20, v2  }
0x22: {  	s22 =	simm.s32 $0x1;
	v6 =	vadd.s32 s21, v2  }
0x23: {  	s23 =	simm.s32 $0x12;
	v7 =	vadd.s32 s22, v2  }
0x24: {  	s24 =	simm.s32 $0x2;
	v8 =	vadd.s32 s23, v2;
	v10 =	vld.idx.msk [tilespmem:v3+s8+$0x0], $0xffff  }
0x25: {  	s25 =	simm.s32 $0x10;
	v9 =	vadd.s32 s24, v2;
	v3 =	vld.idx.msk [tilespmem:v4+s8+$0x0], $0xffff  }
0x26: {  	s26 =	simm.s32 $0x3;
	v11 =	vadd.s32 s25, v2;
	v4 =	vld.idx.msk [tilespmem:v5+s8+$0x0], $0xffff  }
0x27: {  	s28 =	simm.s32 $0x4;
	v12 =	vadd.s32 s26, v2;
	v5 =	vld.idx.msk [tilespmem:v6+s8+$0x0], $0xffff  }
0x28: {  	v13 =	vadd.s32 s28, v2;
	s24 =	simm.s32 $0xE;
	v17 =	vld.idx.msk [tilespmem:v7+s8+$0x0], $0xffff  }
0x29: {  	s29 =	simm.s32 $0x5;
	v21 =	vadd.s32 s24, v2;
	v6 =	vld.idx.msk [tilespmem:v8+s8+$0x0], $0xffff  }
0x2a: {  	v8 =	vadd.s32 s29, v2;
	v26 =	vld.idx.msk [tilespmem:v9+s8+$0x0], $0xffff  }
0x2b: {  	s30 =	simm.s32 $0x6;
	v7 =	vld.idx.msk [tilespmem:v11+s8+$0x0], $0xffff  }
0x2c: {  	v9 =	vadd.s32 s30, v2;
	v30 =	vld.idx.msk [tilespmem:v12+s8+$0x0], $0xffff  }
0x2d: {  	s31 =	simm.s32 $0x7;
	v31 =	vld.idx.msk [tilespmem:v13+s8+$0x0], $0xffff  }
0x2e: {  	v11 =	vadd.s32 s31, v2;
	v22 =	vld.idx.msk [tilespmem:v21+s8+$0x0], $0xffff  }
0x2f: {  	s18 =	simm.s32 $0x8;
	v34 =	vld.idx.msk [tilespmem:v8+s8+$0x0], $0xffff  }
0x30: {  	v8 =	vadd.s32 s18, v2;
	v12 =	vld.idx.msk [tilespmem:v10+s2+$0x0], $0xffff  }
0x31: {  	s19 =	simm.s32 $0x9;
	v35 =	vld.idx.msk [tilespmem:v9+s8+$0x0], $0xffff  }
0x32: {  	v14 =	vadd.s32 s19, v2;
	v13 =	vld.idx.msk [tilespmem:v17+s2+$0x0], $0xffff  }
0x33: {  	v37 =	vld.idx.msk [tilespmem:v11+s8+$0x0], $0xffff  }
0x34: {  	v15 =	vimm.f32 $0.0e+00;
	v9 =	vld.idx.msk [tilespmem:v26+s2+$0x0], $0xffff  }
0x35: {  	s20 =	simm.s32 $0xA;
	v39 =	vld.idx.msk [tilespmem:v8+s8+$0x0], $0xffff;
	v11 =	vadd.f32 v12, v15  }
0x36: {  	s22 =	simm.s32 $0xC;
	v16 =	vadd.s32 s20, v2;
	v15 =	vld.idx.msk [tilespmem:v30+s2+$0x0], $0xffff  }
0x37: {  	s21 =	simm.s32 $0xB;
	v12 =	vld.idx.msk [tilespmem:v14+s8+$0x0], $0xffff;
	v14 =	vadd.s32 s22, v2;
	v8 =	vadd.f32 v13, v11  }
0x38: {  	v18 =	vadd.s32 s21, v2;
	v11 =	vld.idx.msk [tilespmem:v31+s2+$0x0], $0xffff  }
0x39: {  	s23 =	simm.s32 $0xD;
	v19 =	vld.idx.msk [tilespmem:v35+s2+$0x0], $0xffff;
	v8 =	vadd.f32 v9, v8  }
0x3a: {  	v20 =	vadd.s32 s23, v2;
	v9 =	vld.idx.msk [tilespmem:v34+s2+$0x0], $0xffff  }
0x3b: {  	v13 =	vld.idx.msk [tilespmem:v16+s8+$0x0], $0xffff;
	v8 =	vadd.f32 v15, v8  }
0x3c: {  	v16 =	vld.idx.msk [tilespmem:v14+s8+$0x0], $0xffff  }
0x3d: {  	s25 =	simm.s32 $0xF;
	v15 =	vld.idx.msk [tilespmem:v18+s8+$0x0], $0xffff;
	v8 =	vadd.f32 v11, v8  }
0x3e: {  	v23 =	vadd.s32 s25, v2;
	v11 =	vld.idx.msk [tilespmem:v37+s2+$0x0], $0xffff  }
0x3f: {  	v32 =	vimm.s32 $0x0;
	s17 =	simm.s32 $0x19;
	s19 =	simm.s32 $0x31;
	s26 =	simm.s32 $0x17;
	v18 =	vld.idx.msk [tilespmem:v20+s8+$0x0], $0xffff;
	v8 =	vadd.f32 v9, v8  }
0x40: {  	s28 =	simm.s32 $0x15;
	v27 =	vadd.s32 s17, v2;
	s20 =	simm.s32 $0x2F;
	v28 =	vadd.s32 s19, v2;
	v38 =	vadd.s32 s26, v2;
	v9 =	vld.idx.msk [tilespmem:v39+s2+$0x0], $0xffff  }
0x41: {  	s21 =	simm.s32 $0x2D;
	v42 =	vadd.s32 s28, v2;
	s23 =	simm.s32 $0x11;
	s26 =	simm.s32 $0x1D;
	v40 =	vadd.s32 s20, v2;
	v8 =	vadd.f32 v19, v8  }
0x42: {  	s24 =	simm.s32 $0x1F;
	v43 =	vadd.s32 s21, v2;
	v46 =	vadd.s32 s23, v2;
	v25 =	vadd.s32 s26, v2;
	s30 =	simm.s32 $0x13;
	v41 =	vld.idx.msk [tilespmem:v12+s2+$0x0], $0xffff  }
0x43: {  	s28 =	simm.s32 $0x1E;
	v44 =	vadd.s32 s30, v2;
	v21 =	vadd.s32 s24, v2;
	v24 =	vld.idx.msk [tilespmem:v23+s8+$0x0], $0xffff;
	s30 =	simm.s32 $0x1B;
	v8 =	vadd.f32 v11, v8  }
0x44: {  	v23 =	vadd.s32 s28, v2;
	v33 =	vadd.s32 s30, v2;
	vm9 =	vlt.s32 v10, $0x1;
	v45 =	vld.idx.msk [tilespmem:v13+s2+$0x0], $0xffff  }
0x45: {  	vm0 =	vlt.s32 v3, $0x1;
	vm3 =	vlt.s32 v6, $0x1;
	v59 =	vld.idx.msk [tilespmem:v22+s2+$0x0], $0xffff;
	v9 =	vadd.f32 v9, v8  }
0x46: {  	vm2 =	vlt.s32 v5, $0x1;
	vm1 =	vlt.s32 v4, $0x1;
	vm4 =	vlt.s32 v7, $0x1;
	v47 =	vld.idx.msk [tilespmem:v15+s2+$0x0], $0xffff  }
0x47: {  	vm10 =	vlt.s32 v31, $0x1;
	vm12 =	vlt.s32 v26, $0x1;
	v57 =	vld.idx.msk [tilespmem:v16+s2+$0x0], $0xffff;
	v9 =	vadd.f32 v41, v9  }
0x48: {  	vm5 =	vlt.s32 v22, $0x1;
	v10 =	vnsel vm9, $0x1, v10;
	vm9 =	vlt.s32 v17, $0x1;
	v58 =	vld.idx.msk [tilespmem:v18+s2+$0x0], $0xffff  }
0x49: {  	v10 =	vadd.s32 v32, v10;
	v17 =	vnsel vm9, $0x1, v17;
	v8 =	vld.idx.msk [tilespmem:v27+s8+$0x0], $0xffff;
	v45 =	vadd.f32 v45, v9  }
0x4a: {  	vm9 =	vlt.s32 v30, $0x1;
	v10 =	vadd.s32 v17, v10;
	v17 =	vnsel vm12, $0x1, v26;
	v27 =	vld.idx.msk [tilespmem:v46+s8+$0x0], $0xffff  }
0x4b: {  	v61 =	vld.idx.msk [tilespmem:v24+s2+$0x0], $0xffff;
	vm11 =	vlt.s32 v35, $0x1;
	v10 =	vadd.s32 v17, v10;
	v45 =	vadd.f32 v47, v45  }
0x4c: {  	v17 =	vnsel vm9, $0x1, v30;
	vm9 =	vlt.s32 v34, $0x1;
	v63 =	vnsel vm11, $0x1, v35;
	v9 =	vld.idx.msk [tilespmem:v28+s8+$0x0], $0xffff  }
0x4d: {  	v10 =	vadd.s32 v17, v10;
	v17 =	vnsel vm10, $0x1, v31;
	v28 =	vld.idx.msk [tilespmem:v44+s8+$0x0], $0xffff;
	v60 =	vadd.f32 v57, v45  }
0x4e: {  	v32 =	vld.idx.msk [tilespmem:v42+s8+$0x0], $0xffff;
	v17 =	vadd.s32 v17, v10;
	vm8 =	vlt.s32 v39, $0x1;
	v34 =	vnsel vm9, $0x1, v34  }
0x4f: {  	s25 =	simm.s32 $0x20;
	s31 =	simm.s32 $0x29;
	v26 =	vld.idx.msk [tilespmem:v38+s8+$0x0], $0xffff;
	vm9 =	vlt.s32 v37, $0x1;
	v17 =	vadd.s32 v34, v17;
	v62 =	vadd.f32 v58, v60  }
0x50: {  	s29 =	simm.s32 $0x2B;
	v30 =	vld.idx.msk [tilespmem:v7+s2+$0x0], $0xffff;
	v14 =	vadd.s32 s25, v2;
	v20 =	vadd.s32 s31, v2;
	v35 =	vadd.s32 v63, v17  }
0x51: {  	v10 =	vld.idx.msk [tilespmem:v40+s8+$0x0], $0xffff;
	s31 =	simm.s32 $0x1C;
	v37 =	vnsel vm9, $0x1, v37;
	v19 =	vadd.s32 s29, v2;
	v38 =	vadd.f32 v59, v62  }
0x52: {  	v29 =	vadd.s32 s31, v2;
	vm7 =	vlt.s32 v13, $0x1;
	v35 =	vadd.s32 v37, v35;
	v31 =	vld.idx.msk [tilespmem:v27+s2+$0x0], $0xffff  }
0x53: {  	s22 =	simm.s32 $0x21;
	v34 =	vld.idx.msk [tilespmem:v6+s2+$0x0], $0xffff;
	v37 =	vnsel vm8, $0x1, v39;
	vm8 =	vlt.s32 v12, $0x1;
	s29 =	simm.s32 $0x1A;
	v38 =	vadd.f32 v61, v38  }
0x54: {  	s18 =	simm.s32 $0x32;
	v17 =	vld.idx.msk [tilespmem:v43+s8+$0x0], $0xffff;
	vm6 =	vlt.s32 v16, $0x1;
	v36 =	vadd.s32 s29, v2;
	v11 =	vadd.s32 s22, v2  }
.LBB2_3:
0x55: {  	p0 =	slt.u32 s18, $0xAF;
	v35 =	vadd.s32 v37, v35;
	v12 =	vnsel vm8, $0x1, v12;
	v30 =	vadd.f32 v30, v38;
	v37 =	vld.idx.msk [tilespmem:v28+s2+$0x0], $0xffff  }
0x56: {  	v13 =	vnsel vm7, $0x1, v13;
	vm7 =	vlt.s32 v15, $0x1;
	v19 =	vld.idx.msk [tilespmem:v19+s8+$0x0], $0xffff;
	v12 =	vadd.s32 v12, v35  }
0x57: {  	v12 =	vadd.s32 v13, v12;
	v13 =	vnsel vm7, $0x1, v15;
	v15 =	vadd.f32 v31, v30;
	v35 =	vld.idx.msk [tilespmem:v5+s2+$0x0], $0xffff  }
0x58: {  	v20 =	vld.idx.msk [tilespmem:v20+s8+$0x0], $0xffff;
	v12 =	vadd.s32 v13, v12;
	v13 =	vnsel vm6, $0x1, v16;
	vm6 =	vlt.s32 v18, $0x1  }
0x59: {  	v12 =	vadd.s32 v13, v12;
	v13 =	vnsel vm6, $0x1, v18;
	v15 =	vadd.f32 v34, v15;
	v16 =	vld.idx.msk [tilespmem:v32+s2+$0x0], $0xffff  }
0x5a: {  	v30 =	vld.idx.msk [tilespmem:v36+s8+$0x0], $0xffff;
	v12 =	vadd.s32 v13, v12;
	v13 =	vnsel vm5, $0x1, v22;
	vm5 =	vlt.s32 v24, $0x1  }
0x5b: {  	v12 =	vadd.s32 v13, v12;
	v13 =	vnsel vm5, $0x1, v24;
	v15 =	vadd.f32 v37, v15;
	v18 =	vld.idx.msk [tilespmem:v4+s2+$0x0], $0xffff  }
0x5c: {  	v31 =	vld.idx.msk [tilespmem:v33+s8+$0x0], $0xffff;
	v12 =	vadd.s32 v13, v12;
	v33 =	vnsel vm4, $0x1, v7;
	vm4 =	vlt.s32 v27, $0x1  }
0x5d: {  	v24 =	vadd.s32 v33, v12;
	v12 =	vnsel vm4, $0x1, v27;
	v13 =	vadd.f32 v35, v15;
	v15 =	vld.idx.msk [tilespmem:v26+s2+$0x0], $0xffff  }
0x5e: {  	v22 =	vnsel vm3, $0x1, v6;
	vm3 =	vlt.s32 v28, $0x1;
	v6 =	vmovc v19;
	v7 =	vmovc v20;
	v34 =	vld.idx.msk [tilespmem:v29+s8+$0x0], $0xffff;
	v12 =	vadd.s32 v12, v24  }
0x5f: {  	v19 =	vnsel vm3, $0x1, v28;
	v12 =	vadd.s32 v22, v12;
	v13 =	vadd.f32 v16, v13;
	v16 =	vld.idx.msk [tilespmem:v3+s2+$0x0], $0xffff  }
0x60: {  	v35 =	vld.idx.msk [tilespmem:v25+s8+$0x0], $0xffff;
	v12 =	vadd.s32 v19, v12;
	v19 =	vnsel vm2, $0x1, v5;
	vm2 =	vlt.s32 v32, $0x1;
	v5 =	vmovc v17  }
0x61: {  	v20 =	vld.idx.msk [tilespmem:v8+s2+$0x0], $0xffff;
	v12 =	vadd.s32 v19, v12;
	v19 =	vnsel vm2, $0x1, v32;
	v13 =	vadd.f32 v18, v13  }
0x62: {  	v18 =	vnsel vm1, $0x1, v4;
	vm1 =	vlt.s32 v26, $0x1;
	v4 =	vmovc v10;
	v17 =	vld.idx.msk [tilespmem:v23+s8+$0x0], $0xffff;
	v12 =	vadd.s32 v19, v12  }
0x63: {  	v10 =	vld.idx.msk [tilespmem:v30+s2+$0x0], $0xffff;
	v12 =	vadd.s32 v18, v12;
	v13 =	vadd.f32 v15, v13;
	v15 =	vnsel vm1, $0x1, v26  }
0x64: {  	s19 =	sadd.s32 $0x9, s17;
	v37 =	vld.idx.msk [tilespmem:v21+s8+$0x0], $0xffff;
	v12 =	vadd.s32 v15, v12;
	v15 =	vnsel vm0, $0x1, v3;
	v3 =	vmov v9  }
0x65: {  	v18 =	vadd.s32 s19, v2;
	v9 =	vld.idx.msk [tilespmem:v31+s2+$0x0], $0xffff;
	v13 =	vadd.f32 v16, v13;
	v26 =	vadd.s32 v15, v12  }
0x66: {  	s19 =	sadd.s32 $0xA, s17;
	v38 =	vld.idx.msk [tilespmem:v14+s8+$0x0], $0xffff  }
0x67: {  	v12 =	vadd.f32 v20, v13;
	v14 =	vld.idx.msk [tilespmem:v34+s2+$0x0], $0xffff;
	v13 =	vadd.s32 s19, v2  }
0x68: {  	s19 =	sadd.s32 $0xB, s17;
	v39 =	vld.idx.msk [tilespmem:v11+s8+$0x0], $0xffff  }
0x69: {  	v15 =	vadd.s32 s19, v2;
	v10 =	vadd.f32 v10, v12;
	v11 =	vld.idx.msk [tilespmem:v35+s2+$0x0], $0xffff  }
0x6a: {  	s19 =	sadd.s32 $0xC, s17;
	v12 =	vld.idx.msk [tilespmem:v18+s8+$0x0], $0xffff  }
0x6b: {  	v16 =	vadd.s32 s19, v2;
	v9 =	vadd.f32 v9, v10;
	v10 =	vld.idx.msk [tilespmem:v17+s2+$0x0], $0xffff  }
0x6c: {  	s19 =	sadd.s32 $0xD, s17;
	v13 =	vld.idx.msk [tilespmem:v13+s8+$0x0], $0xffff  }
0x6d: {  	v18 =	vadd.s32 s19, v2;
	v9 =	vadd.f32 v14, v9;
	v14 =	vld.idx.msk [tilespmem:v37+s2+$0x0], $0xffff  }
0x6e: {  	s19 =	sadd.s32 $0xE, s17;
	v15 =	vld.idx.msk [tilespmem:v15+s8+$0x0], $0xffff  }
0x6f: {  	v20 =	vadd.s32 s19, v2;
	v9 =	vadd.f32 v11, v9;
	v11 =	vld.idx.msk [tilespmem:v38+s2+$0x0], $0xffff  }
0x70: {  	s19 =	sadd.s32 $0xF, s17;
	v16 =	vld.idx.msk [tilespmem:v16+s8+$0x0], $0xffff  }
0x71: {  	s20 =	sadd.s32 $0x18, s18;
	v23 =	vadd.s32 s19, v2;
	s19 =	sadd.s32 $0x17, s17;
	v9 =	vadd.f32 v10, v9;
	v10 =	vld.idx.msk [tilespmem:v39+s2+$0x0], $0xffff  }
0x72: {  	s21 =	sadd.s32 $0x16, s18;
	v28 =	vadd.s32 s20, v2;
	s20 =	sadd.s32 $0x15, s17;
	v27 =	vadd.s32 s18, v2;
	v32 =	vadd.s32 s19, v2;
	v18 =	vld.idx.msk [tilespmem:v18+s8+$0x0], $0xffff  }
0x73: {  	s22 =	sadd.s32 $0x14, s18;
	v40 =	vadd.s32 s21, v2;
	s21 =	sadd.s32 $0x13, s17;
	v42 =	vadd.s32 s20, v2;
	s19 =	sadd.s32 $0x12, s18;
	v9 =	vadd.f32 v14, v9;
	v41 =	vld.idx.msk [tilespmem:v12+s2+$0x0], $0xffff  }
0x74: {  	v43 =	vadd.s32 s22, v2;
	v44 =	vadd.s32 s21, v2;
	s20 =	sadd.s32 $0x10, s18;
	v19 =	vadd.s32 s19, v2;
	s19 =	sadd.s32 $0x11, s17;
	s17 =	smov.u32 s18;
	v22 =	vld.idx.msk [tilespmem:v20+s8+$0x0], $0xffff  }
0x75: {  	s23 =	sadd.s32 $0x8, s18;
	s22 =	sadd.s32 $0x7, s18;
	s21 =	sadd.s32 $0x6, s18;
	v46 =	vadd.s32 s19, v2;
	v20 =	vadd.s32 s20, v2;
	v9 =	vadd.f32 v11, v9;
	v45 =	vld.idx.msk [tilespmem:v13+s2+$0x0], $0xffff  }
0x76: {  	v21 =	vadd.s32 s21, v2;
	s19 =	sadd.s32 $0x4, s18;
	v14 =	vadd.s32 s22, v2;
	s20 =	sadd.s32 $0x5, s18;
	v11 =	vadd.s32 s23, v2;
	v24 =	vld.idx.msk [tilespmem:v23+s8+$0x0], $0xffff  }
0x77: {  	s21 =	sadd.s32 $0x1, s18;
	v25 =	vadd.s32 s19, v2;
	s22 =	sadd.s32 $0x2, s18;
	s23 =	sadd.s32 $0x3, s18;
	v23 =	vadd.s32 s20, v2;
	v9 =	vadd.f32 v10, v9;
	v10 =	vld.idx.msk [tilespmem:v15+s2+$0x0], $0xffff  }
0x78: {  	v36 =	vadd.s32 s21, v2;
	v33 =	vadd.s32 s22, v2;
	v29 =	vadd.s32 s23, v2;
	v47 =	vld.idx.msk [tilespmem:v27+s8+$0x0], $0xffff  }
0x79: {  	vm10 =	vlt.s32 v8, $0x1;
	vm0 =	vlt.s32 v3, $0x1;
	v9 =	vadd.f32 v41, v9;
	v41 =	vld.idx.msk [tilespmem:v16+s2+$0x0], $0xffff  }
0x7a: {  	vm3 =	vlt.s32 v6, $0x1;
	vm2 =	vlt.s32 v5, $0x1;
	vm1 =	vlt.s32 v4, $0x1;
	v27 =	vld.idx.msk [tilespmem:v46+s8+$0x0], $0xffff  }
0x7b: {  	vm4 =	vlt.s32 v7, $0x1;
	vm5 =	vlt.s32 v22, $0x1;
	v45 =	vadd.f32 v45, v9;
	v46 =	vld.idx.msk [tilespmem:v18+s2+$0x0], $0xffff  }
0x7c: {  	vm8 =	vlt.s32 v39, $0x1;
	vm7 =	vlt.s32 v13, $0x1;
	vm6 =	vlt.s32 v16, $0x1;
	v9 =	vld.idx.msk [tilespmem:v28+s8+$0x0], $0xffff  }
0x7d: {  	vm11 =	vlt.s32 v35, $0x1;
	vm9 =	vlt.s32 v37, $0x1;
	v10 =	vadd.f32 v10, v45;
	v45 =	vld.idx.msk [tilespmem:v22+s2+$0x0], $0xffff  }
0x7e: {  	v48 =	vnsel vm10, $0x1, v8;
	vm10 =	vlt.s32 v30, $0x1;
	vm12 =	vlt.s32 v31, $0x1;
	v8 =	vmovc v47;
	v28 =	vld.idx.msk [tilespmem:v44+s8+$0x0], $0xffff  }
0x7f: {  	v30 =	vnsel vm10, $0x1, v30;
	v26 =	vadd.s32 v26, v48;
	v10 =	vadd.f32 v41, v10;
	v41 =	vld.idx.msk [tilespmem:v24+s2+$0x0], $0xffff  }
0x80: {  	vm10 =	vlt.s32 v34, $0x1;
	v31 =	vnsel vm12, $0x1, v31;
	v30 =	vadd.s32 v30, v26;
	v26 =	vld.idx.msk [tilespmem:v32+s8+$0x0], $0xffff  }
0x81: {  	v31 =	vadd.s32 v31, v30;
	v32 =	vnsel vm10, $0x1, v34;
	v10 =	vadd.f32 v46, v10;
	v30 =	vld.idx.msk [tilespmem:v7+s2+$0x0], $0xffff  }
.Ltmp0:
0x82: {  	v34 =	vnsel vm11, $0x1, v35;
	vm10 =	vlt.s32 v17, $0x1;
	v31 =	vadd.s32 v32, v31;
	v32 =	vld.idx.msk [tilespmem:v42+s8+$0x0], $0xffff;
	(pc) =	sbr.rel @p0 .LBB2_3-.Ltmp0, $4  }
0x83: {  	v17 =	vnsel vm10, $0x1, v17;
	v34 =	vadd.s32 v34, v31;
	v35 =	vadd.f32 v45, v10;
	v31 =	vld.idx.msk [tilespmem:v27+s2+$0x0], $0xffff  }
0x84: {  	v17 =	vadd.s32 v17, v34;
	v34 =	vnsel vm9, $0x1, v37;
	vm9 =	vlt.s32 v38, $0x1;
	v10 =	vld.idx.msk [tilespmem:v40+s8+$0x0], $0xffff  }
0x85: {  	v37 =	vadd.s32 v34, v17;
	v40 =	vnsel vm9, $0x1, v38;
	v38 =	vadd.f32 v41, v35;
	v34 =	vld.idx.msk [tilespmem:v6+s2+$0x0], $0xffff  }
0x86: {  	s18 =	sadd.s32 $0x19, s18;
	v35 =	vadd.s32 v40, v37;
	v37 =	vnsel vm8, $0x1, v39;
	vm8 =	vlt.s32 v12, $0x1;
	v17 =	vld.idx.msk [tilespmem:v43+s8+$0x0], $0xffff  }
0x87: {  	_ =	sdelay $0x3  }
0x88: {  	v30 =	vadd.f32 v30, v38;
	v50 =	vld.idx.msk [tilespmem:v28+s2+$0x0], $0xffff  }
0x89: {  	v51 =	vld.idx.msk [tilespmem:v5+s2+$0x0], $0xffff  }
0x8a: {  	v52 =	vld.idx.msk [tilespmem:v32+s2+$0x0], $0xffff;
	v30 =	vadd.f32 v31, v30  }
0x8b: {  	v36 =	vld.idx.msk [tilespmem:v36+s8+$0x0], $0xffff;
	v35 =	vadd.s32 v37, v35  }
0x8c: {  	v53 =	vld.idx.msk [tilespmem:v4+s2+$0x0], $0xffff;
	v12 =	vnsel vm8, $0x1, v12;
	v13 =	vnsel vm7, $0x1, v13;
	v30 =	vadd.f32 v34, v30  }
0x8d: {  	v33 =	vld.idx.msk [tilespmem:v33+s8+$0x0], $0xffff;
	vm14 =	vlt.s32 v15, $0x1;
	v16 =	vnsel vm6, $0x1, v16;
	vm15 =	vlt.s32 v18, $0x1  }
0x8e: {  	v54 =	vld.idx.msk [tilespmem:v26+s2+$0x0], $0xffff;
	v22 =	vnsel vm5, $0x1, v22;
	vm8 =	vlt.s32 v24, $0x1;
	v30 =	vadd.f32 v50, v30  }
0x8f: {  	v29 =	vld.idx.msk [tilespmem:v29+s8+$0x0], $0xffff;
	v7 =	vnsel vm4, $0x1, v7;
	vm9 =	vlt.s32 v27, $0x1;
	v6 =	vnsel vm3, $0x1, v6  }
0x90: {  	v55 =	vld.idx.msk [tilespmem:v3+s2+$0x0], $0xffff;
	vm10 =	vlt.s32 v28, $0x1;
	v46 =	vnsel vm2, $0x1, v5;
	v30 =	vadd.f32 v51, v30  }
0x91: {  	v25 =	vld.idx.msk [tilespmem:v25+s8+$0x0], $0xffff;
	vm11 =	vlt.s32 v32, $0x1;
	vm12 =	vlt.s32 v26, $0x1;
	v3 =	vnsel vm0, $0x1, v3  }
0x92: {  	v56 =	vld.idx.msk [tilespmem:v8+s2+$0x0], $0xffff;
	vm13 =	vlt.s32 v8, $0x1;
	vm0 =	vlt.s32 v9, $0x1;
	v30 =	vadd.f32 v52, v30  }
0x93: {  	v21 =	vld.idx.msk [tilespmem:v21+s8+$0x0], $0xffff;
	s18 =	sadd.s32 $0x9, s17;
	s22 =	sadd.s32 $0xA, s17;
	v12 =	vadd.s32 v12, v35;
	v57 =	vnsel vm14, $0x1, v15;
	v60 =	vnsel vm15, $0x1, v18  }
0x94: {  	v11 =	vld.idx.msk [tilespmem:v11+s8+$0x0], $0xffff;
	v62 =	vadd.s32 s18, v2;
	v35 =	vadd.s32 s22, v2;
	v30 =	vadd.f32 v53, v30  }
0x95: {  	s23 =	sadd.s32 $0xE, s17;
	v19 =	vld.idx.msk [tilespmem:v19+s8+$0x0], $0xffff;
	v37 =	vnsel vm8, $0x1, v24;
	v39 =	vnsel vm9, $0x1, v27;
	v43 =	vnsel vm10, $0x1, v28  }
0x96: {  	v15 =	vld.idx.msk [tilespmem:v23+s8+$0x0], $0xffff;
	v48 =	vadd.s32 s23, v2;
	v12 =	vadd.s32 v13, v12;
	v58 =	vadd.f32 v54, v30  }
0x97: {  	s19 =	sadd.s32 $0xD, s17;
	v49 =	vnsel vm11, $0x1, v32;
	v8 =	vnsel vm13, $0x1, v8;
	v12 =	vadd.s32 v57, v12;
	v59 =	vld.idx.msk [tilespmem:v36+s2+$0x0], $0xffff  }
0x98: {  	v14 =	vld.idx.msk [tilespmem:v14+s8+$0x0], $0xffff;
	s28 =	sadd.s32 $0x17, s17;
	v57 =	vadd.s32 s19, v2;
	v12 =	vadd.s32 v16, v12;
	v23 =	vadd.f32 v55, v58  }
0x99: {  	vm2 =	vlt.s32 v17, $0x1;
	v12 =	vadd.s32 v60, v12;
	v60 =	vadd.s32 s28, v2;
	v61 =	vld.idx.msk [tilespmem:v33+s2+$0x0], $0xffff  }
0x9a: {  	vm3 =	vlt.s32 v19, $0x1;
	vm7 =	vlt.s32 v11, $0x1;
	v40 =	vld.idx.msk [tilespmem:v62+s8+$0x0], $0xffff;
	v63 =	vadd.f32 v56, v23  }
0x9b: {  	vm14 =	vlt.s32 v36, $0x1;
	vm15 =	vlt.s32 v33, $0x1;
	v12 =	vadd.s32 v22, v12;
	v34 =	vld.idx.msk [tilespmem:v29+s2+$0x0], $0xffff  }
0x9c: {  	s30 =	sadd.s32 $0x13, s17;
	vm13 =	vlt.s32 v25, $0x1;
	v42 =	vld.idx.msk [tilespmem:v35+s8+$0x0], $0xffff;
	v12 =	vadd.s32 v37, v12;
	v13 =	vadd.f32 v59, v63  }
0x9d: {  	s24 =	sadd.s32 $0xB, s17;
	v50 =	vnsel vm1, $0x1, v4;
	v62 =	vadd.s32 s30, v2;
	v38 =	vld.idx.msk [tilespmem:v25+s2+$0x0], $0xffff;
	v7 =	vadd.s32 v7, v12  }
0x9e: {  	v16 =	vld.idx.msk [tilespmem:v48+s8+$0x0], $0xffff;
	v7 =	vadd.s32 v39, v7;
	v55 =	vadd.s32 s24, v2;
	v13 =	vadd.f32 v61, v13  }
0x9f: {  	s25 =	sadd.s32 $0xC, s17;
	vm1 =	vlt.s32 v10, $0x1;
	v28 =	vnsel vm15, $0x1, v33;
	v41 =	vld.idx.msk [tilespmem:v15+s2+$0x0], $0xffff;
	v6 =	vadd.s32 v6, v7  }
0xa0: {  	v6 =	vadd.s32 v43, v6;
	v56 =	vadd.s32 s25, v2;
	v13 =	vadd.f32 v34, v13  }
0xa1: {  	v31 =	vnsel vm13, $0x1, v25;
	vm15 =	vlt.s32 v21, $0x1;
	v44 =	vld.idx.msk [tilespmem:v21+s2+$0x0], $0xffff;
	v5 =	vadd.s32 v46, v6  }
0xa2: {  	v35 =	vnsel vm15, $0x1, v21;
	v47 =	vld.idx.msk [tilespmem:v14+s2+$0x0], $0xffff;
	v5 =	vadd.s32 v49, v5;
	v45 =	vadd.f32 v38, v13  }
0xa3: {  	vm5 =	vlt.s32 v16, $0x1;
	v53 =	vnsel vm12, $0x1, v26;
	v4 =	vadd.s32 v50, v5;
	v63 =	vld.idx.msk [tilespmem:v55+s8+$0x0], $0xffff  }
0xa4: {  	s26 =	sadd.s32 $0xF, s17;
	v51 =	vld.idx.msk [tilespmem:v11+s2+$0x0], $0xffff;
	vm13 =	vlt.s32 v42, $0x1;
	v4 =	vadd.s32 v53, v4;
	v7 =	vadd.f32 v41, v45  }
0xa5: {  	vm12 =	vlt.s32 v29, $0x1;
	v3 =	vadd.s32 v3, v4;
	v59 =	vadd.s32 s26, v2;
	v4 =	vld.idx.msk [tilespmem:v56+s8+$0x0], $0xffff  }
0xa6: {  	v54 =	vld.idx.msk [tilespmem:v40+s2+$0x0], $0xffff;
	v3 =	vadd.s32 v3, v8;
	v23 =	vnsel vm14, $0x1, v36;
	v7 =	vadd.f32 v44, v7  }
0xa7: {  	v30 =	vnsel vm12, $0x1, v29;
	vm12 =	vlt.s32 v14, $0x1;
	v3 =	vadd.s32 v23, v3;
	v13 =	vld.idx.msk [tilespmem:v57+s8+$0x0], $0xffff  }
0xa8: {  	s29 =	sadd.s32 $0x15, s17;
	s31 =	sadd.s32 $0x11, s17;
	vm14 =	vlt.s32 v15, $0x1;
	v3 =	vadd.s32 v28, v3;
	v7 =	vadd.f32 v47, v7  }
0xa9: {  	v58 =	vld.idx.msk [tilespmem:v42+s2+$0x0], $0xffff;
	v3 =	vadd.s32 v30, v3;
	v61 =	vadd.s32 s29, v2;
	v2 =	vadd.s32 s31, v2  }
0xaa: {  	v33 =	vnsel vm14, $0x1, v15;
	v3 =	vadd.s32 v31, v3;
	v32 =	vld.idx.msk [tilespmem:v59+s8+$0x0], $0xffff;
	v6 =	vadd.f32 v51, v7  }
0xab: {  	v46 =	vnsel vm5, $0x1, v16;
	v36 =	vnsel vm12, $0x1, v14;
	v3 =	vadd.s32 v33, v3;
	v34 =	vld.idx.msk [tilespmem:v63+s2+$0x0], $0xffff  }
0xac: {  	v52 =	vld.idx.msk [tilespmem:v20+s8+$0x0], $0xffff;
	vm14 =	vlt.s32 v40, $0x1;
	v3 =	vadd.s32 v35, v3;
	v5 =	vadd.f32 v54, v6  }
0xad: {  	v39 =	vnsel vm14, $0x1, v40;
	v3 =	vadd.s32 v36, v3;
	v38 =	vnsel vm7, $0x1, v11;
	v37 =	vld.idx.msk [tilespmem:v4+s2+$0x0], $0xffff  }
0xae: {  	vm9 =	vlt.s32 v63, $0x1;
	v2 =	vld.idx.msk [tilespmem:v2+s8+$0x0], $0xffff;
	v3 =	vadd.s32 v38, v3;
	v5 =	vadd.f32 v58, v5  }
0xaf: {  	vm15 =	vlt.s32 v4, $0x1;
	v3 =	vadd.s32 v39, v3;
	v41 =	vnsel vm13, $0x1, v42;
	v40 =	vld.idx.msk [tilespmem:v13+s2+$0x0], $0xffff  }
0xb0: {  	v3 =	vadd.s32 v41, v3;
	v6 =	vnsel vm9, $0x1, v63;
	v5 =	vadd.f32 v34, v5  }
0xb1: {  	v42 =	vld.idx.msk [tilespmem:v16+s2+$0x0], $0xffff;
	v4 =	vnsel vm15, $0x1, v4;
	vm10 =	vlt.s32 v13, $0x1;
	v3 =	vadd.s32 v6, v3  }
0xb2: {  	v43 =	vld.idx.msk [tilespmem:v62+s8+$0x0], $0xffff;
	v44 =	vnsel vm10, $0x1, v13;
	v3 =	vadd.s32 v4, v3;
	v5 =	vadd.f32 v37, v5  }
0xb3: {  	vm4 =	vlt.s32 v52, $0x1;
	vm11 =	vlt.s32 v32, $0x1;
	v45 =	vld.idx.msk [tilespmem:v32+s2+$0x0], $0xffff;
	v3 =	vadd.s32 v44, v3  }
0xb4: {  	v47 =	vnsel vm11, $0x1, v32;
	v7 =	vld.idx.msk [tilespmem:v61+s8+$0x0], $0xffff;
	v3 =	vadd.s32 v46, v3;
	v5 =	vadd.f32 v40, v5  }
0xb5: {  	v49 =	vnsel vm4, $0x1, v52;
	v48 =	vld.idx.msk [tilespmem:v52+s2+$0x0], $0xffff;
	vm12 =	vlt.s32 v2, $0x1;
	v3 =	vadd.s32 v47, v3  }
0xb6: {  	v50 =	vld.idx.msk [tilespmem:v60+s8+$0x0], $0xffff;
	v51 =	vnsel vm12, $0x1, v2;
	v3 =	vadd.s32 v49, v3;
	v5 =	vadd.f32 v42, v5  }
0xb7: {  	v52 =	vnsel vm3, $0x1, v19;
	vm13 =	vlt.s32 v43, $0x1;
	v2 =	vld.idx.msk [tilespmem:v2+s2+$0x0], $0xffff;
	v3 =	vadd.s32 v51, v3  }
0xb8: {  	v53 =	vnsel vm13, $0x1, v43;
	v3 =	vadd.s32 v52, v3;
	v5 =	vadd.f32 v45, v5  }
0xb9: {  	v55 =	vnsel vm2, $0x1, v17;
	v54 =	vld.idx.msk [tilespmem:v19+s2+$0x0], $0xffff;
	vm14 =	vlt.s32 v7, $0x1;
	v3 =	vadd.s32 v53, v3  }
0xba: {  	v56 =	vnsel vm14, $0x1, v7;
	v3 =	vadd.s32 v55, v3;
	v5 =	vadd.f32 v48, v5  }
0xbb: {  	v57 =	vnsel vm1, $0x1, v10;
	vm15 =	vlt.s32 v50, $0x1;
	v6 =	vld.idx.msk [tilespmem:v43+s2+$0x0], $0xffff;
	v3 =	vadd.s32 v56, v3  }
0xbc: {  	v58 =	vnsel vm15, $0x1, v50;
	v3 =	vadd.s32 v57, v3;
	v2 =	vadd.f32 v2, v5  }
0xbd: {  	v60 =	vnsel vm0, $0x1, v9;
	v59 =	vld.idx.msk [tilespmem:v17+s2+$0x0], $0xffff;
	v3 =	vadd.s32 v58, v3  }
0xbe: {  	v3 =	vadd.s32 v60, v3;
	v2 =	vadd.f32 v54, v2  }
0xbf: {  	v61 =	vld.idx.msk [tilespmem:v7+s2+$0x0], $0xffff;
	v3 =	vcvt.s32.f32 v3  }
0xc0: {  	v2 =	vadd.f32 v6, v2  }
0xc1: {  	v62 =	vld.idx.msk [tilespmem:v10+s2+$0x0], $0xffff;
	v3 =	vmax.f32 v3, $1.000000000e+00  }
0xc2: {  	(erf) = vrcp.f32 v3;
	v2 =	vadd.f32 v59, v2  }
0xc3: {  	v3 =	vld.idx.msk [tilespmem:v50+s2+$0x0], $0xffff  }
0xc4: {  	v2 =	vadd.f32 v61, v2  }
0xc5: {  	v63 =	vld.idx.msk [tilespmem:v9+s2+$0x0], $0xffff  }
0xc6: {  	v2 =	vadd.f32 v62, v2;
	_ =	sdelay $0x1  }
0xc7: {  	v2 =	vadd.f32 v3, v2;
	_ =	sdelay $0x1  }
0xc8: {  	s15 =	sadd.s32 $0x1, s15;
	v2 =	vadd.f32 v63, v2  }
0xc9: {  	p0 =	sne.s32 s15, $0x8;
	v3 =	vpop (erf)  }
.Ltmp1:
0xca: {  	v2 =	vmul.f32 v3, v2;
	(pc) =	sbr.rel @p0 .LBB2_2-.Ltmp1, $3  }
0xcb: {  	_ = 	snop  }
0xcc: {  	v2 =	vadd.f32 v2, v1;
	_ =	sdelay $0x1  }
0xcd: {  	[tilespmem:s16+$0x1F480] =	vst v2  }
0xce: {  	s14 =	sadd.s32 $0x1, s14  }
0xcf: {  	p0 =	sne.s32 s14, s7  }
.Ltmp2:
0xd0: {  	_ = 	snop;
	(pc) =	sbr.rel @p0 .LBB2_1-.Ltmp2, $4  }
0xd1: {  	[hbm4b:s6+s2] =	stream.linear.scatter [tilespmem:s13], [sflag:$0x3], $0x80, $0x38;
	[tilespmem:$0x1F500] =	vst v63  }
0xd2: {  	_ =	swait.ge [sflag:s10], $0x80  }
0xd3: {  	[sflag:s10] =	ssyncset.done $0x0  }
0xd4: {  	[sflag:s10] =	ssyncadd.s32 $0xFFFFFF80  }
0xd5: {  	_ =	sfence.sel $0x180000  }
0xd6: {  	[bflag:$0x0] =	sbarrier.arrive $0xFFFF  }
0xd7: {  	p0 =	sne.s32 s0, $0x0;
	_ =	strace $0x90000047  }
0xd8: {  	s0 =	sadd.s32 @!p0 $0x100000, s1;
	[bflag:$0x2] =	sbarrier.arrive $0xFFFF  }
0xd9: {  	[sflag:s0] =	ssyncadd.tile.s32 @!p0 $0x1;
	_ =	shalt  }
.Lfunc_end2:
_tile_overlayer_lowered:
.L_overlay_start_2:
0xda: {  	(tag) =	ssettag $0x2  }
0xdb: {  	s0 =	rddreg [dreg:$0x0];
	s2 =	stileid.u32  }
0xdc: {  	s1 =	rddreg [dreg:$0x1];
	p0 =	sne.s32 s2, $0x0  }
0xdd: {  	s3 =	rddreg [dreg:$0x2];
	[bflag:$0x3] =	sbarrier.arrive $0xFFFF;
	s2 =	simm.s32 @!p0 $0x1C03  }
0xde: {  	[timem:s3], [sflag:s2] =	dma.local @!p0 [hbm:s0], s1  }
0xdf: {  	s0 =	simm.s32 @!p0 $0x3  }
0xe0: {  	_ =	swait.ge @!p0 [sflag:s0], s1  }
0xe1: {  	s1 =	ssub.s32 @!p0 $0x0, s1;
	[sflag:s0] =	ssyncset.done @!p0 $0x0  }
0xe2: {  	[sflag:s0] =	ssyncadd.s32 @!p0 s1  }
0xe3: {  	[bflag:$0x3] =	sbarrier.arrive $0xFFFF  }
0xe4: {  	_ =	shalt  }

</sc_bundles>
